<compile_context>
chip_gen: v7x
topology: tpu7x:2x2x1
jax: 0.10.2.dev20260603
libtpu: 0.0.44.dev20260713+nightly
codegen_flags: <defaults>
</compile_context>

<pallas_src>
import functools
import math

import jax
import jax.numpy as jnp
from jax import lax
from jax.experimental import pallas as pl
from jax.experimental.pallas import tpu as pltpu
from jax.experimental.pallas import tpu_sc as plsc

B, N, K, D = 4, 2048, 2048, 4
BW = 0.1
HALF_INV_BW2 = 0.5 / (BW * BW)
INV_BW2 = 1.0 / (BW * BW)
LOGCONST = D * (0.5 * math.log(2.0 * math.pi) + math.log(BW))

NC, NS, L = 2, 16, 16
NW = NC * NS
CPB = NW // B

N_SC = 384
N_TC = N - N_SC
TN = 832

NPW = N_SC // CPB
NV = NPW // L
BLK = min(4, NV)

_SQRT2 = math.sqrt(2.0)
_LN2 = math.log(2.0)


def _vlog(a):
    bits = lax.bitcast_convert_type(a, jnp.int32)
    e = lax.shift_right_logical(bits, 23) - 127
    mant = lax.bitcast_convert_type(
        lax.bitwise_or(lax.bitwise_and(bits, 0x007FFFFF), 0x3F800000),
        jnp.float32,
    )
    big = mant > _SQRT2
    mant = jnp.where(big, mant * 0.5, mant)
    e = jnp.where(big, e + 1, e)
    r = (mant - 1.0) / (mant + 1.0)
    r2 = r * r
    poly = 2.0 * r * (1.0 + r2 * (1.0 / 3.0 + r2 * (1.0 / 5.0 + r2 * (1.0 / 7.0 + r2 * (1.0 / 9.0)))))
    return e.astype(jnp.float32) * _LN2 + poly


def _sc_body(st_ref, loct_ref, w_ref, out_ref, locv, wv, qv, sv, outv):
    wid = lax.axis_index("s") * NC + lax.axis_index("c")
    b = wid // CPB

    pltpu.sync_copy(loct_ref.at[b], locv)
    pltpu.sync_copy(w_ref.at[b], wv)
    pltpu.sync_copy(st_ref.at[wid], sv)

    def qbody(j, _):
        sl = pl.ds(j * L, L)
        tds = [locv[pl.ds(d * K + j * L, L)] for d in range(D)]
        acc = tds[0] * tds[0]
        for d in range(1, D):
            acc = acc + tds[d] * tds[d]
        qv[sl] = wv[sl] - HALF_INV_BW2 * acc - LOGCONST
        for d in range(D):
            locv[pl.ds(d * K + j * L, L)] = INV_BW2 * tds[d]
        return 0

    lax.fori_loop(0, K // L, qbody, 0, unroll=2)

    for blk in range(NV // BLK):
        s_regs = []
        p_regs = []
        for v in range(BLK):
            off = (blk * BLK + v) * L
            sd = [sv[pl.ds(d * NPW + off, L)] for d in range(D)]
            s_regs.append(sd)
            nrm = sd[0] * sd[0]
            for d in range(1, D):
                nrm = nrm + sd[d] * sd[d]
            p_regs.append(-HALF_INV_BW2 * nrm)

        neg = jnp.full((L,), -1e30, dtype=jnp.float32)
        zero = jnp.zeros((L,), dtype=jnp.float32)
        init = tuple([neg] * BLK + [zero] * BLK)

        GRP = 4

        def kbody(j, carry):
            ms = list(carry[:BLK])
            accs = list(carry[BLK:])
            lvecs = [locv[pl.ds(d * K + j * L, L)] for d in range(D)]
            qvec = qv[pl.ds(j * L, L)]
            for g in range(L // GRP):
                xs = [[None] * GRP for _ in range(BLK)]
                for ii in range(GRP):
                    i = g * GRP + ii
                    l = [lvecs[d][i] for d in range(D)]
                    qk = qvec[i]
                    for v in range(BLK):
                        sd = s_regs[v]
                        dot = sd[0] * l[0]
                        for d in range(1, D):
                            dot = dot + sd[d] * l[d]
                        xs[v][ii] = (p_regs[v] + qk) + dot
                for v in range(BLK):
                    mn = ms[v]
                    for ii in range(GRP):
                        mn = jnp.maximum(mn, xs[v][ii])
                    e01 = jnp.exp(xs[v][0] - mn) + jnp.exp(xs[v][1] - mn)
                    e23 = jnp.exp(xs[v][2] - mn) + jnp.exp(xs[v][3] - mn)
                    accs[v] = accs[v] * jnp.exp(ms[v] - mn) + (e01 + e23)
                    ms[v] = mn
            return tuple(ms + accs)

        res = lax.fori_loop(0, K // L, kbody, init, unroll=1)
        for v in range(BLK):
            off = (blk * BLK + v) * L
            outv[pl.ds(off, L)] = res[v] + _vlog(res[BLK + v])

    pltpu.sync_copy(outv, out_ref.at[wid])


DP = 8


def _tc_body(s_ref, loct_ref, w_ref, out_ref):
    s = s_ref[0]
    lt = loct_ref[0]
    q = w_ref[0, 0] - HALF_INV_BW2 * jnp.sum(lt * lt, axis=0) - LOGCONST
    p = -HALF_INV_BW2 * jnp.sum(s * s, axis=1)
    scol = lax.broadcasted_iota(jnp.int32, (TN, DP), 1)
    s_aug = s + jnp.where(scol == D, p[:, None], 0.0) + jnp.where(scol == D + 1, 1.0, 0.0)
    lrow = lax.broadcasted_iota(jnp.int32, (DP, K), 0)
    l_aug = jnp.where(
        lrow == D, 1.0, jnp.where(lrow == D + 1, q[None, :], INV_BW2 * lt)
    )
    dims = (((1,), (0,)), ((), ()))
    sh = s_aug.astype(jnp.bfloat16)
    sl = (s_aug - sh.astype(jnp.float32)).astype(jnp.bfloat16)
    lh = l_aug.astype(jnp.bfloat16)
    ll = (l_aug - lh.astype(jnp.float32)).astype(jnp.bfloat16)
    s_cat = jnp.concatenate([sh, sh, sl], axis=1)
    l_cat = jnp.concatenate([lh, ll, lh], axis=0)
    x = lax.dot_general(
        s_cat, l_cat, dims, preferred_element_type=jnp.float32
    )
    m = jnp.max(x, axis=1)
    acc = jnp.sum(jnp.exp(x - m[:, None]), axis=1)
    out_ref[0, 0, 0] = m + jnp.log(acc)


def _tc_part(s_tc, loct_p, w3):
    grid = (B, N_TC // TN)
    out = pl.pallas_call(
        _tc_body,
        grid=grid,
        in_specs=[
            pl.BlockSpec((1, TN, DP), lambda b, t: (b, t, 0)),
            pl.BlockSpec((1, DP, K), lambda b, t: (b, 0, 0)),
            pl.BlockSpec((1, 1, K), lambda b, t: (b, 0, 0)),
        ],
        out_specs=pl.BlockSpec((1, 1, 1, TN), lambda b, t: (b, t, 0, 0)),
        out_shape=jax.ShapeDtypeStruct((B, N_TC // TN, 1, TN), jnp.float32),
    )(s_tc, loct_p, w3)
    return out.reshape(B, N_TC)


@jax.jit
def kernel(sample, loc, weight):
    sample_sc = sample[:, :N_SC]
    sample_tc = sample[:, N_SC:]
    st_sc = (
        sample_sc.reshape(B, CPB, NPW, D)
        .transpose(0, 1, 3, 2)
        .reshape(NW, D * NPW)
    )
    loct = loc.transpose(0, 2, 1)
    loct_flat = loct.reshape(B, D * K)
    loct_p = jnp.pad(loct, [(0, 0), (0, DP - D), (0, 0)])
    s_tc = jnp.pad(sample_tc, [(0, 0), (0, 0), (0, DP - D)])
    w3 = weight.reshape(B, 1, K)

    mesh = plsc.VectorSubcoreMesh(core_axis_name="c", subcore_axis_name="s")
    out_sc = pl.kernel(
        _sc_body,
        out_type=jax.ShapeDtypeStruct((NW, NPW), jnp.float32),
        mesh=mesh,
        scratch_types=[
            pltpu.VMEM((D * K,), jnp.float32),
            pltpu.VMEM((K,), jnp.float32),
            pltpu.VMEM((K,), jnp.float32),
            pltpu.VMEM((D * NPW,), jnp.float32),
            pltpu.VMEM((NPW,), jnp.float32),
        ],
    )(st_sc, loct_flat, weight)

    out_tc = _tc_part(s_tc, loct_p, w3)
    return jnp.concatenate([out_sc.reshape(B, N_SC), out_tc], axis=1)

# --- scband reference (transcript-rebuilt; emitter-appended) ---
"""Pipeline reference for scband-kernel-mixture-28887950033364 (READ-ONLY COPY).

The authoritative reference and input builder live on the scoring server;
editing this copy changes nothing except your own understanding.
"""

import jax, jax.numpy as jnp
import numpy as np

B, N, K, D = 4, 2048, 2048, 4
BW = 0.1  # kernel bandwidth (isotropic Gaussian kernel)


def setup_inputs(seed: int = 0) -> dict:
    key = jax.random.key(seed)
    k1, k2, k3 = jax.random.split(key, 3)
    sample = jax.random.normal(k1, (B, N, D), dtype=jnp.float32)
    loc = jax.random.normal(k2, (B, K, D), dtype=jnp.float32)
    w_raw = jax.random.normal(k3, (B, K), dtype=jnp.float32)
    # weights are log-weights (added directly to log densities in the torch code);
    # normalize so logsumexp(weight) == 0 per batch, as in a proper mixture.
    weight = jax.nn.log_softmax(w_raw, axis=-1)
    return {"sample": sample, "loc": loc, "weight": weight}


def _kernel_log_density(x):
    # Isotropic Gaussian kernel with bandwidth BW, dim D.
    # log N(x; 0, BW^2 I) = -0.5 * sum((x/BW)^2) - D*(0.5*log(2*pi) + log(BW))
    return -0.5 * jnp.sum((x / BW) ** 2, axis=-1) - D * (
        0.5 * jnp.log(2.0 * jnp.pi) + jnp.log(BW)
    )


def reference(sample, loc, weight):
    # KernelMixture.log_density:
    #   densities = kernel.log_density(sample.unsqueeze(-2) - unsqueeze_to_size(loc, ..., 2))
    #   return logsumexp(densities + weight, dim=-1)
    diff = sample[..., :, None, :] - loc[..., None, :, :]  # [B, N, K, D]
    densities = _kernel_log_density(diff)  # [B, N, K]
    log_mix = densities + weight[..., None, :]  # broadcast log-weights over N
    return jax.scipy.special.logsumexp(log_mix, axis=-1)  # [B, N]

if __name__ == "__main__":
    import jax
    _d = setup_inputs()
    print(jax.jit(kernel)(*tuple(_d.values())))

</pallas_src>

<mosaic_0001>
#map = affine_map<(d0, d1) -> (0, 0)>
module attributes {stable_mosaic.version = 14 : i64} {
  func.func @_sc_body(%arg0: i32, %arg1: i32, %arg2: memref<32x192xf32, #tpu.memory_space<hbm>>, %arg3: memref<4x8192xf32, #tpu.memory_space<hbm>>, %arg4: memref<4x2048xf32, #tpu.memory_space<hbm>>, %arg5: memref<32x48xf32, #tpu.memory_space<hbm>>, %arg6: memref<8192xf32, #tpu.memory_space<vmem>>, %arg7: memref<2048xf32, #tpu.memory_space<vmem>>, %arg8: memref<2048xf32, #tpu.memory_space<vmem>>, %arg9: memref<192xf32, #tpu.memory_space<vmem>>, %arg10: memref<48xf32, #tpu.memory_space<vmem>>) attributes {dimension_semantics = [#tpu.dimension_semantics<core_parallel>, #tpu.dimension_semantics<subcore_parallel>], iteration_bounds = array<i64: 2, 16>, scalar_prefetch = 0 : i64, scratch_operands = 5 : i64, tpu.core_type = #tpu.core_type<sc_vector_subcore>, window_params = [{transform_indices = #map}, {transform_indices = #map}, {transform_indices = #map}, {transform_indices = #map}]} {
    %mul3A = arith.constant 2 : i32
    %mul3A_0 = arith.muli %arg1, %mul3A : i32
    %add3A = arith.addi %mul3A_0, %arg0 : i32
    %jit3A = arith.constant 8 : i32
    %div3A = arith.divsi %add3A, %jit3A : i32
    %sign3A = arith.constant 0 : i32
    %sign3A_1 = arith.cmpi sgt, %add3A, %sign3A : i32
    %sign3A_2 = arith.extui %sign3A_1 : i1 to i32
    %sign3A_3 = arith.constant 0 : i32
    %sign3A_4 = arith.cmpi slt, %add3A, %sign3A_3 : i32
    %sign3A_5 = arith.extui %sign3A_4 : i1 to i32
    %sign3A_6 = arith.subi %sign3A_2, %sign3A_5 : i32
    %sign3A_7 = arith.constant 0 : i32
    %sign3A_8 = arith.cmpi sgt, %jit3A, %sign3A_7 : i32
    %sign3A_9 = arith.extui %sign3A_8 : i1 to i32
    %sign3A_10 = arith.constant 0 : i32
    %sign3A_11 = arith.cmpi slt, %jit3A, %sign3A_10 : i32
    %sign3A_12 = arith.extui %sign3A_11 : i1 to i32
    %sign3A_13 = arith.subi %sign3A_9, %sign3A_12 : i32
    %ne3A = arith.cmpi ne, %sign3A_6, %sign3A_13 : i32
    %rem3A = arith.remsi %add3A, %jit3A : i32
    %ne3A_14 = arith.constant 0 : i32
    %ne3A_15 = arith.cmpi ne, %rem3A, %ne3A_14 : i32
    %and3A = arith.andi %ne3A, %ne3A_15 : i1
    %sub3A = arith.constant 1 : i32
    %sub3A_16 = arith.subi %div3A, %sub3A : i32
    %select_n3A = arith.select %and3A, %sub3A_16, %div3A : i32
    "tpu.region"() ({
      %run_scoped3A = tpu.sem_alloc : memref<!tpu.dma_semaphore, #tpu.memory_space<semaphore_mem>>
      %dma_start3A = arith.constant 0 : i32
      %dma_start3A_286 = tpu.memref_slice %arg3[%select_n3A, %dma_start3A] : memref<4x8192xf32, #tpu.memory_space<hbm>> -> memref<1x8192xf32, #tpu.memory_space<hbm>>
      %dma_start3A_287 = tpu.memref_squeeze %dma_start3A_286 : memref<1x8192xf32, #tpu.memory_space<hbm>> -> memref<8192xf32, #tpu.memory_space<hbm>>
      %dma_start3A_288 = arith.constant 0 : i32
      %dma_start3A_289 = tpu.memref_slice %arg3[%select_n3A, %dma_start3A_288] : memref<4x8192xf32, #tpu.memory_space<hbm>> -> memref<1x8192xf32, #tpu.memory_space<hbm>>
      %dma_start3A_290 = tpu.memref_squeeze %dma_start3A_289 : memref<1x8192xf32, #tpu.memory_space<hbm>> -> memref<8192xf32, #tpu.memory_space<hbm>>
      tpu.enqueue_dma source(%dma_start3A_290 : memref<8192xf32, #tpu.memory_space<hbm>>) target(%arg6 : memref<8192xf32, #tpu.memory_space<vmem>>) target_semaphore(%run_scoped3A : memref<!tpu.dma_semaphore, #tpu.memory_space<semaphore_mem>>)
      %dma_wait3A = arith.constant 0 : i32
      %dma_wait3A_291 = tpu.memref_slice %arg3[%select_n3A, %dma_wait3A] : memref<4x8192xf32, #tpu.memory_space<hbm>> -> memref<1x8192xf32, #tpu.memory_space<hbm>>
      %dma_wait3A_292 = tpu.memref_squeeze %dma_wait3A_291 : memref<1x8192xf32, #tpu.memory_space<hbm>> -> memref<8192xf32, #tpu.memory_space<hbm>>
      %dma_wait3A_293 = arith.constant 0 : i32
      %dma_wait3A_294 = tpu.memref_slice %arg3[%select_n3A, %dma_wait3A_293] : memref<4x8192xf32, #tpu.memory_space<hbm>> -> memref<1x8192xf32, #tpu.memory_space<hbm>>
      %dma_wait3A_295 = tpu.memref_squeeze %dma_wait3A_294 : memref<1x8192xf32, #tpu.memory_space<hbm>> -> memref<8192xf32, #tpu.memory_space<hbm>>
      tpu.wait_dma2 semaphore(%run_scoped3A : memref<!tpu.dma_semaphore, #tpu.memory_space<semaphore_mem>>) src(%dma_wait3A_295 : memref<8192xf32, #tpu.memory_space<hbm>>) dst(%arg6 : memref<8192xf32, #tpu.memory_space<vmem>>)
      tpu.yield
    }) : () -> ()
    "tpu.region"() ({
      %run_scoped3A = tpu.sem_alloc : memref<!tpu.dma_semaphore, #tpu.memory_space<semaphore_mem>>
      %dma_start3A = arith.constant 0 : i32
      %dma_start3A_286 = tpu.memref_slice %arg4[%select_n3A, %dma_start3A] : memref<4x2048xf32, #tpu.memory_space<hbm>> -> memref<1x2048xf32, #tpu.memory_space<hbm>>
      %dma_start3A_287 = tpu.memref_squeeze %dma_start3A_286 : memref<1x2048xf32, #tpu.memory_space<hbm>> -> memref<2048xf32, #tpu.memory_space<hbm>>
      %dma_start3A_288 = arith.constant 0 : i32
      %dma_start3A_289 = tpu.memref_slice %arg4[%select_n3A, %dma_start3A_288] : memref<4x2048xf32, #tpu.memory_space<hbm>> -> memref<1x2048xf32, #tpu.memory_space<hbm>>
      %dma_start3A_290 = tpu.memref_squeeze %dma_start3A_289 : memref<1x2048xf32, #tpu.memory_space<hbm>> -> memref<2048xf32, #tpu.memory_space<hbm>>
      tpu.enqueue_dma source(%dma_start3A_290 : memref<2048xf32, #tpu.memory_space<hbm>>) target(%arg7 : memref<2048xf32, #tpu.memory_space<vmem>>) target_semaphore(%run_scoped3A : memref<!tpu.dma_semaphore, #tpu.memory_space<semaphore_mem>>)
      %dma_wait3A = arith.constant 0 : i32
      %dma_wait3A_291 = tpu.memref_slice %arg4[%select_n3A, %dma_wait3A] : memref<4x2048xf32, #tpu.memory_space<hbm>> -> memref<1x2048xf32, #tpu.memory_space<hbm>>
      %dma_wait3A_292 = tpu.memref_squeeze %dma_wait3A_291 : memref<1x2048xf32, #tpu.memory_space<hbm>> -> memref<2048xf32, #tpu.memory_space<hbm>>
      %dma_wait3A_293 = arith.constant 0 : i32
      %dma_wait3A_294 = tpu.memref_slice %arg4[%select_n3A, %dma_wait3A_293] : memref<4x2048xf32, #tpu.memory_space<hbm>> -> memref<1x2048xf32, #tpu.memory_space<hbm>>
      %dma_wait3A_295 = tpu.memref_squeeze %dma_wait3A_294 : memref<1x2048xf32, #tpu.memory_space<hbm>> -> memref<2048xf32, #tpu.memory_space<hbm>>
      tpu.wait_dma2 semaphore(%run_scoped3A : memref<!tpu.dma_semaphore, #tpu.memory_space<semaphore_mem>>) src(%dma_wait3A_295 : memref<2048xf32, #tpu.memory_space<hbm>>) dst(%arg7 : memref<2048xf32, #tpu.memory_space<vmem>>)
      tpu.yield
    }) : () -> ()
    "tpu.region"() ({
      %run_scoped3A = tpu.sem_alloc : memref<!tpu.dma_semaphore, #tpu.memory_space<semaphore_mem>>
      %dma_start3A = arith.constant 0 : i32
      %dma_start3A_286 = tpu.memref_slice %arg2[%add3A, %dma_start3A] : memref<32x192xf32, #tpu.memory_space<hbm>> -> memref<1x192xf32, #tpu.memory_space<hbm>>
      %dma_start3A_287 = tpu.memref_squeeze %dma_start3A_286 : memref<1x192xf32, #tpu.memory_space<hbm>> -> memref<192xf32, #tpu.memory_space<hbm>>
      %dma_start3A_288 = arith.constant 0 : i32
      %dma_start3A_289 = tpu.memref_slice %arg2[%add3A, %dma_start3A_288] : memref<32x192xf32, #tpu.memory_space<hbm>> -> memref<1x192xf32, #tpu.memory_space<hbm>>
      %dma_start3A_290 = tpu.memref_squeeze %dma_start3A_289 : memref<1x192xf32, #tpu.memory_space<hbm>> -> memref<192xf32, #tpu.memory_space<hbm>>
      tpu.enqueue_dma source(%dma_start3A_290 : memref<192xf32, #tpu.memory_space<hbm>>) target(%arg9 : memref<192xf32, #tpu.memory_space<vmem>>) target_semaphore(%run_scoped3A : memref<!tpu.dma_semaphore, #tpu.memory_space<semaphore_mem>>)
      %dma_wait3A = arith.constant 0 : i32
      %dma_wait3A_291 = tpu.memref_slice %arg2[%add3A, %dma_wait3A] : memref<32x192xf32, #tpu.memory_space<hbm>> -> memref<1x192xf32, #tpu.memory_space<hbm>>
      %dma_wait3A_292 = tpu.memref_squeeze %dma_wait3A_291 : memref<1x192xf32, #tpu.memory_space<hbm>> -> memref<192xf32, #tpu.memory_space<hbm>>
      %dma_wait3A_293 = arith.constant 0 : i32
      %dma_wait3A_294 = tpu.memref_slice %arg2[%add3A, %dma_wait3A_293] : memref<32x192xf32, #tpu.memory_space<hbm>> -> memref<1x192xf32, #tpu.memory_space<hbm>>
      %dma_wait3A_295 = tpu.memref_squeeze %dma_wait3A_294 : memref<1x192xf32, #tpu.memory_space<hbm>> -> memref<192xf32, #tpu.memory_space<hbm>>
      tpu.wait_dma2 semaphore(%run_scoped3A : memref<!tpu.dma_semaphore, #tpu.memory_space<semaphore_mem>>) src(%dma_wait3A_295 : memref<192xf32, #tpu.memory_space<hbm>>) dst(%arg9 : memref<192xf32, #tpu.memory_space<vmem>>)
      tpu.yield
    }) : () -> ()
    %scan3A = arith.constant 0 : i32
    %scan3A_17 = arith.constant 0 : i32
    %scan3A_18 = arith.constant 128 : i32
    %scan3A_19 = arith.addi %scan3A_17, %scan3A_18 : i32
    %scan3A_20 = arith.constant 2 : i32
    %scan3A_21 = scf.for %scan3A_286 = %scan3A_17 to %scan3A_19 step %scan3A_20 iter_args(%scan3A_287 = %scan3A) -> (i32)  : i32 {
      %mul3A_288 = arith.constant 16 : i32
      %mul3A_289 = arith.muli %scan3A_286, %mul3A_288 : i32
      %mul3A_290 = arith.constant 16 : i32
      %mul3A_291 = arith.muli %scan3A_286, %mul3A_290 : i32
      %add3A_292 = arith.constant 0 : i32
      %add3A_293 = arith.addi %add3A_292, %mul3A_291 : i32
      %get3A_294 = arith.index_cast %add3A_293 : i32 to index
      %get3A_295 = tpu.vector_load %arg6[%get3A_294] {strides = array<i32>} : memref<8192xf32, #tpu.memory_space<vmem>>, vector<16xf32>,
      %get3A_296 = vector.shape_cast %get3A_295 : vector<16xf32> to vector<16xf32>
      %mul3A_297 = arith.constant 16 : i32
      %mul3A_298 = arith.muli %scan3A_286, %mul3A_297 : i32
      %add3A_299 = arith.constant 2048 : i32
      %add3A_300 = arith.addi %add3A_299, %mul3A_298 : i32
      %get3A_301 = arith.index_cast %add3A_300 : i32 to index
      %get3A_302 = tpu.vector_load %arg6[%get3A_301] {strides = array<i32>} : memref<8192xf32, #tpu.memory_space<vmem>>, vector<16xf32>,
      %get3A_303 = vector.shape_cast %get3A_302 : vector<16xf32> to vector<16xf32>
      %mul3A_304 = arith.constant 16 : i32
      %mul3A_305 = arith.muli %scan3A_286, %mul3A_304 : i32
      %add3A_306 = arith.constant 4096 : i32
      %add3A_307 = arith.addi %add3A_306, %mul3A_305 : i32
      %get3A_308 = arith.index_cast %add3A_307 : i32 to index
      %get3A_309 = tpu.vector_load %arg6[%get3A_308] {strides = array<i32>} : memref<8192xf32, #tpu.memory_space<vmem>>, vector<16xf32>,
      %get3A_310 = vector.shape_cast %get3A_309 : vector<16xf32> to vector<16xf32>
      %mul3A_311 = arith.constant 16 : i32
      %mul3A_312 = arith.muli %scan3A_286, %mul3A_311 : i32
      %add3A_313 = arith.constant 6144 : i32
      %add3A_314 = arith.addi %add3A_313, %mul3A_312 : i32
      %get3A_315 = arith.index_cast %add3A_314 : i32 to index
      %get3A_316 = tpu.vector_load %arg6[%get3A_315] {strides = array<i32>} : memref<8192xf32, #tpu.memory_space<vmem>>, vector<16xf32>,
      %get3A_317 = vector.shape_cast %get3A_316 : vector<16xf32> to vector<16xf32>
      %mul3A_318 = arith.mulf %get3A_296, %get3A_296 : vector<16xf32>
      %mul3A_319 = arith.mulf %get3A_303, %get3A_303 : vector<16xf32>
      %add3A_320 = arith.addf %mul3A_318, %mul3A_319 : vector<16xf32>
      %mul3A_321 = arith.mulf %get3A_310, %get3A_310 : vector<16xf32>
      %add3A_322 = arith.addf %add3A_320, %mul3A_321 : vector<16xf32>
      %mul3A_323 = arith.mulf %get3A_317, %get3A_317 : vector<16xf32>
      %add3A_324 = arith.addf %add3A_322, %mul3A_323 : vector<16xf32>
      %get3A_325 = arith.index_cast %mul3A_289 : i32 to index
      %get3A_326 = tpu.vector_load %arg7[%get3A_325] {strides = array<i32>} : memref<2048xf32, #tpu.memory_space<vmem>>, vector<16xf32>,
      %get3A_327 = vector.shape_cast %get3A_326 : vector<16xf32> to vector<16xf32>
      %mul3A_328 = arith.constant 5.000000e+01 : f32
      %mul3A_329 = vector.broadcast %mul3A_328 : f32 to vector<16xf32>
      %mul3A_330 = arith.mulf %mul3A_329, %add3A_324 : vector<16xf32>
      %sub3A_331 = arith.subf %get3A_327, %mul3A_330 : vector<16xf32>
      %sub3A_332 = arith.constant -5.53458643 : f32
      %sub3A_333 = vector.broadcast %sub3A_332 : f32 to vector<16xf32>
      %sub3A_334 = arith.subf %sub3A_331, %sub3A_333 : vector<16xf32>
      %swap3A_335 = arith.index_cast %mul3A_289 : i32 to index
      %swap3A_336 = tpu.vector_load %arg8[%swap3A_335] {strides = array<i32>} : memref<2048xf32, #tpu.memory_space<vmem>>, vector<16xf32>,
      %swap3A_337 = vector.shape_cast %swap3A_336 : vector<16xf32> to vector<16xf32>
      %swap3A_338 = vector.shape_cast %sub3A_334 : vector<16xf32> to vector<16xf32>
      tpu.vector_store %arg8[%swap3A_335], %swap3A_338 {strides = array<i32>} : memref<2048xf32, #tpu.memory_space<vmem>>, vector<16xf32>,
      %mul3A_339 = arith.constant 1.000000e+02 : f32
      %mul3A_340 = vector.broadcast %mul3A_339 : f32 to vector<16xf32>
      %mul3A_341 = arith.mulf %mul3A_340, %get3A_296 : vector<16xf32>
      %mul3A_342 = arith.constant 16 : i32
      %mul3A_343 = arith.muli %scan3A_286, %mul3A_342 : i32
      %add3A_344 = arith.constant 0 : i32
      %add3A_345 = arith.addi %add3A_344, %mul3A_343 : i32
      %swap3A_346 = arith.index_cast %add3A_345 : i32 to index
      %swap3A_347 = tpu.vector_load %arg6[%swap3A_346] {strides = array<i32>} : memref<8192xf32, #tpu.memory_space<vmem>>, vector<16xf32>,
      %swap3A_348 = vector.shape_cast %swap3A_347 : vector<16xf32> to vector<16xf32>
      %swap3A_349 = vector.shape_cast %mul3A_341 : vector<16xf32> to vector<16xf32>
      tpu.vector_store %arg6[%swap3A_346], %swap3A_349 {strides = array<i32>} : memref<8192xf32, #tpu.memory_space<vmem>>, vector<16xf32>,
      %mul3A_350 = arith.constant 1.000000e+02 : f32
      %mul3A_351 = vector.broadcast %mul3A_350 : f32 to vector<16xf32>
      %mul3A_352 = arith.mulf %mul3A_351, %get3A_303 : vector<16xf32>
      %mul3A_353 = arith.constant 16 : i32
      %mul3A_354 = arith.muli %scan3A_286, %mul3A_353 : i32
      %add3A_355 = arith.constant 2048 : i32
      %add3A_356 = arith.addi %add3A_355, %mul3A_354 : i32
      %swap3A_357 = arith.index_cast %add3A_356 : i32 to index
      %swap3A_358 = tpu.vector_load %arg6[%swap3A_357] {strides = array<i32>} : memref<8192xf32, #tpu.memory_space<vmem>>, vector<16xf32>,
      %swap3A_359 = vector.shape_cast %swap3A_358 : vector<16xf32> to vector<16xf32>
      %swap3A_360 = vector.shape_cast %mul3A_352 : vector<16xf32> to vector<16xf32>
      tpu.vector_store %arg6[%swap3A_357], %swap3A_360 {strides = array<i32>} : memref<8192xf32, #tpu.memory_space<vmem>>, vector<16xf32>,
      %mul3A_361 = arith.constant 1.000000e+02 : f32
      %mul3A_362 = vector.broadcast %mul3A_361 : f32 to vector<16xf32>
      %mul3A_363 = arith.mulf %mul3A_362, %get3A_310 : vector<16xf32>
      %mul3A_364 = arith.constant 16 : i32
      %mul3A_365 = arith.muli %scan3A_286, %mul3A_364 : i32
      %add3A_366 = arith.constant 4096 : i32
      %add3A_367 = arith.addi %add3A_366, %mul3A_365 : i32
      %swap3A_368 = arith.index_cast %add3A_367 : i32 to index
      %swap3A_369 = tpu.vector_load %arg6[%swap3A_368] {strides = array<i32>} : memref<8192xf32, #tpu.memory_space<vmem>>, vector<16xf32>,
      %swap3A_370 = vector.shape_cast %swap3A_369 : vector<16xf32> to vector<16xf32>
      %swap3A_371 = vector.shape_cast %mul3A_363 : vector<16xf32> to vector<16xf32>
      tpu.vector_store %arg6[%swap3A_368], %swap3A_371 {strides = array<i32>} : memref<8192xf32, #tpu.memory_space<vmem>>, vector<16xf32>,
      %mul3A_372 = arith.constant 1.000000e+02 : f32
      %mul3A_373 = vector.broadcast %mul3A_372 : f32 to vector<16xf32>
      %mul3A_374 = arith.mulf %mul3A_373, %get3A_317 : vector<16xf32>
      %mul3A_375 = arith.constant 16 : i32
      %mul3A_376 = arith.muli %scan3A_286, %mul3A_375 : i32
      %add3A_377 = arith.constant 6144 : i32
      %add3A_378 = arith.addi %add3A_377, %mul3A_376 : i32
      %swap3A_379 = arith.index_cast %add3A_378 : i32 to index
      %swap3A_380 = tpu.vector_load %arg6[%swap3A_379] {strides = array<i32>} : memref<8192xf32, #tpu.memory_space<vmem>>, vector<16xf32>,
      %swap3A_381 = vector.shape_cast %swap3A_380 : vector<16xf32> to vector<16xf32>
      %swap3A_382 = vector.shape_cast %mul3A_374 : vector<16xf32> to vector<16xf32>
      tpu.vector_store %arg6[%swap3A_379], %swap3A_382 {strides = array<i32>} : memref<8192xf32, #tpu.memory_space<vmem>>, vector<16xf32>,
      %scan3A_383 = arith.constant 0 : i32
      %scan3A_384 = arith.constant 1 : i32
      %scan3A_385 = arith.addi %scan3A_286, %scan3A_384 : i32
      %mul3A_386 = arith.constant 16 : i32
      %mul3A_387 = arith.muli %scan3A_385, %mul3A_386 : i32
      %mul3A_388 = arith.constant 16 : i32
      %mul3A_389 = arith.muli %scan3A_385, %mul3A_388 : i32
      %add3A_390 = arith.constant 0 : i32
      %add3A_391 = arith.addi %add3A_390, %mul3A_389 : i32
      %get3A_392 = arith.index_cast %add3A_391 : i32 to index
      %get3A_393 = tpu.vector_load %arg6[%get3A_392] {strides = array<i32>} : memref<8192xf32, #tpu.memory_space<vmem>>, vector<16xf32>,
      %get3A_394 = vector.shape_cast %get3A_393 : vector<16xf32> to vector<16xf32>
      %mul3A_395 = arith.constant 16 : i32
      %mul3A_396 = arith.muli %scan3A_385, %mul3A_395 : i32
      %add3A_397 = arith.constant 2048 : i32
      %add3A_398 = arith.addi %add3A_397, %mul3A_396 : i32
      %get3A_399 = arith.index_cast %add3A_398 : i32 to index
      %get3A_400 = tpu.vector_load %arg6[%get3A_399] {strides = array<i32>} : memref<8192xf32, #tpu.memory_space<vmem>>, vector<16xf32>,
      %get3A_401 = vector.shape_cast %get3A_400 : vector<16xf32> to vector<16xf32>
      %mul3A_402 = arith.constant 16 : i32
      %mul3A_403 = arith.muli %scan3A_385, %mul3A_402 : i32
      %add3A_404 = arith.constant 4096 : i32
      %add3A_405 = arith.addi %add3A_404, %mul3A_403 : i32
      %get3A_406 = arith.index_cast %add3A_405 : i32 to index
      %get3A_407 = tpu.vector_load %arg6[%get3A_406] {strides = array<i32>} : memref<8192xf32, #tpu.memory_space<vmem>>, vector<16xf32>,
      %get3A_408 = vector.shape_cast %get3A_407 : vector<16xf32> to vector<16xf32>
      %mul3A_409 = arith.constant 16 : i32
      %mul3A_410 = arith.muli %scan3A_385, %mul3A_409 : i32
      %add3A_411 = arith.constant 6144 : i32
      %add3A_412 = arith.addi %add3A_411, %mul3A_410 : i32
      %get3A_413 = arith.index_cast %add3A_412 : i32 to index
      %get3A_414 = tpu.vector_load %arg6[%get3A_413] {strides = array<i32>} : memref<8192xf32, #tpu.memory_space<vmem>>, vector<16xf32>,
      %get3A_415 = vector.shape_cast %get3A_414 : vector<16xf32> to vector<16xf32>
      %mul3A_416 = arith.mulf %get3A_394, %get3A_394 : vector<16xf32>
      %mul3A_417 = arith.mulf %get3A_401, %get3A_401 : vector<16xf32>
      %add3A_418 = arith.addf %mul3A_416, %mul3A_417 : vector<16xf32>
      %mul3A_419 = arith.mulf %get3A_408, %get3A_408 : vector<16xf32>
      %add3A_420 = arith.addf %add3A_418, %mul3A_419 : vector<16xf32>
      %mul3A_421 = arith.mulf %get3A_415, %get3A_415 : vector<16xf32>
      %add3A_422 = arith.addf %add3A_420, %mul3A_421 : vector<16xf32>
      %get3A_423 = arith.index_cast %mul3A_387 : i32 to index
      %get3A_424 = tpu.vector_load %arg7[%get3A_423] {strides = array<i32>} : memref<2048xf32, #tpu.memory_space<vmem>>, vector<16xf32>,
      %get3A_425 = vector.shape_cast %get3A_424 : vector<16xf32> to vector<16xf32>
      %mul3A_426 = arith.constant 5.000000e+01 : f32
      %mul3A_427 = vector.broadcast %mul3A_426 : f32 to vector<16xf32>
      %mul3A_428 = arith.mulf %mul3A_427, %add3A_422 : vector<16xf32>
      %sub3A_429 = arith.subf %get3A_425, %mul3A_428 : vector<16xf32>
      %sub3A_430 = arith.constant -5.53458643 : f32
      %sub3A_431 = vector.broadcast %sub3A_430 : f32 to vector<16xf32>
      %sub3A_432 = arith.subf %sub3A_429, %sub3A_431 : vector<16xf32>
      %swap3A_433 = arith.index_cast %mul3A_387 : i32 to index
      %swap3A_434 = tpu.vector_load %arg8[%swap3A_433] {strides = array<i32>} : memref<2048xf32, #tpu.memory_space<vmem>>, vector<16xf32>,
      %swap3A_435 = vector.shape_cast %swap3A_434 : vector<16xf32> to vector<16xf32>
      %swap3A_436 = vector.shape_cast %sub3A_432 : vector<16xf32> to vector<16xf32>
      tpu.vector_store %arg8[%swap3A_433], %swap3A_436 {strides = array<i32>} : memref<2048xf32, #tpu.memory_space<vmem>>, vector<16xf32>,
      %mul3A_437 = arith.constant 1.000000e+02 : f32
      %mul3A_438 = vector.broadcast %mul3A_437 : f32 to vector<16xf32>
      %mul3A_439 = arith.mulf %mul3A_438, %get3A_394 : vector<16xf32>
      %mul3A_440 = arith.constant 16 : i32
      %mul3A_441 = arith.muli %scan3A_385, %mul3A_440 : i32
      %add3A_442 = arith.constant 0 : i32
      %add3A_443 = arith.addi %add3A_442, %mul3A_441 : i32
      %swap3A_444 = arith.index_cast %add3A_443 : i32 to index
      %swap3A_445 = tpu.vector_load %arg6[%swap3A_444] {strides = array<i32>} : memref<8192xf32, #tpu.memory_space<vmem>>, vector<16xf32>,
      %swap3A_446 = vector.shape_cast %swap3A_445 : vector<16xf32> to vector<16xf32>
      %swap3A_447 = vector.shape_cast %mul3A_439 : vector<16xf32> to vector<16xf32>
      tpu.vector_store %arg6[%swap3A_444], %swap3A_447 {strides = array<i32>} : memref<8192xf32, #tpu.memory_space<vmem>>, vector<16xf32>,
      %mul3A_448 = arith.constant 1.000000e+02 : f32
      %mul3A_449 = vector.broadcast %mul3A_448 : f32 to vector<16xf32>
      %mul3A_450 = arith.mulf %mul3A_449, %get3A_401 : vector<16xf32>
      %mul3A_451 = arith.constant 16 : i32
      %mul3A_452 = arith.muli %scan3A_385, %mul3A_451 : i32
      %add3A_453 = arith.constant 2048 : i32
      %add3A_454 = arith.addi %add3A_453, %mul3A_452 : i32
      %swap3A_455 = arith.index_cast %add3A_454 : i32 to index
      %swap3A_456 = tpu.vector_load %arg6[%swap3A_455] {strides = array<i32>} : memref<8192xf32, #tpu.memory_space<vmem>>, vector<16xf32>,
      %swap3A_457 = vector.shape_cast %swap3A_456 : vector<16xf32> to vector<16xf32>
      %swap3A_458 = vector.shape_cast %mul3A_450 : vector<16xf32> to vector<16xf32>
      tpu.vector_store %arg6[%swap3A_455], %swap3A_458 {strides = array<i32>} : memref<8192xf32, #tpu.memory_space<vmem>>, vector<16xf32>,
      %mul3A_459 = arith.constant 1.000000e+02 : f32
      %mul3A_460 = vector.broadcast %mul3A_459 : f32 to vector<16xf32>
      %mul3A_461 = arith.mulf %mul3A_460, %get3A_408 : vector<16xf32>
      %mul3A_462 = arith.constant 16 : i32
      %mul3A_463 = arith.muli %scan3A_385, %mul3A_462 : i32
      %add3A_464 = arith.constant 4096 : i32
      %add3A_465 = arith.addi %add3A_464, %mul3A_463 : i32
      %swap3A_466 = arith.index_cast %add3A_465 : i32 to index
      %swap3A_467 = tpu.vector_load %arg6[%swap3A_466] {strides = array<i32>} : memref<8192xf32, #tpu.memory_space<vmem>>, vector<16xf32>,
      %swap3A_468 = vector.shape_cast %swap3A_467 : vector<16xf32> to vector<16xf32>
      %swap3A_469 = vector.shape_cast %mul3A_461 : vector<16xf32> to vector<16xf32>
      tpu.vector_store %arg6[%swap3A_466], %swap3A_469 {strides = array<i32>} : memref<8192xf32, #tpu.memory_space<vmem>>, vector<16xf32>,
      %mul3A_470 = arith.constant 1.000000e+02 : f32
      %mul3A_471 = vector.broadcast %mul3A_470 : f32 to vector<16xf32>
      %mul3A_472 = arith.mulf %mul3A_471, %get3A_415 : vector<16xf32>
      %mul3A_473 = arith.constant 16 : i32
      %mul3A_474 = arith.muli %scan3A_385, %mul3A_473 : i32
      %add3A_475 = arith.constant 6144 : i32
      %add3A_476 = arith.addi %add3A_475, %mul3A_474 : i32
      %swap3A_477 = arith.index_cast %add3A_476 : i32 to index
      %swap3A_478 = tpu.vector_load %arg6[%swap3A_477] {strides = array<i32>} : memref<8192xf32, #tpu.memory_space<vmem>>, vector<16xf32>,
      %swap3A_479 = vector.shape_cast %swap3A_478 : vector<16xf32> to vector<16xf32>
      %swap3A_480 = vector.shape_cast %mul3A_472 : vector<16xf32> to vector<16xf32>
      tpu.vector_store %arg6[%swap3A_477], %swap3A_480 {strides = array<i32>} : memref<8192xf32, #tpu.memory_space<vmem>>, vector<16xf32>,
      %scan3A_481 = arith.constant 0 : i32
      scf.yield %scan3A_481 : i32
    }
    %scan3A_22 = arith.constant 128 : i32
    %get3A = arith.constant 0 : index
    %get3A_23 = tpu.vector_load %arg9[%get3A] {strides = array<i32>} : memref<192xf32, #tpu.memory_space<vmem>>, vector<16xf32>,
    %get3A_24 = vector.shape_cast %get3A_23 : vector<16xf32> to vector<16xf32>
    %get3A_25 = arith.constant 48 : index
    %get3A_26 = tpu.vector_load %arg9[%get3A_25] {strides = array<i32>} : memref<192xf32, #tpu.memory_space<vmem>>, vector<16xf32>,
    %get3A_27 = vector.shape_cast %get3A_26 : vector<16xf32> to vector<16xf32>
    %get3A_28 = arith.constant 96 : index
    %get3A_29 = tpu.vector_load %arg9[%get3A_28] {strides = array<i32>} : memref<192xf32, #tpu.memory_space<vmem>>, vector<16xf32>,
    %get3A_30 = vector.shape_cast %get3A_29 : vector<16xf32> to vector<16xf32>
    %get3A_31 = arith.constant 144 : index
    %get3A_32 = tpu.vector_load %arg9[%get3A_31] {strides = array<i32>} : memref<192xf32, #tpu.memory_space<vmem>>, vector<16xf32>,
    %get3A_33 = vector.shape_cast %get3A_32 : vector<16xf32> to vector<16xf32>
    %mul3A_34 = arith.mulf %get3A_24, %get3A_24 : vector<16xf32>
    %mul3A_35 = arith.mulf %get3A_27, %get3A_27 : vector<16xf32>
    %add3A_36 = arith.addf %mul3A_34, %mul3A_35 : vector<16xf32>
    %mul3A_37 = arith.mulf %get3A_30, %get3A_30 : vector<16xf32>
    %add3A_38 = arith.addf %add3A_36, %mul3A_37 : vector<16xf32>
    %mul3A_39 = arith.mulf %get3A_33, %get3A_33 : vector<16xf32>
    %add3A_40 = arith.addf %add3A_38, %mul3A_39 : vector<16xf32>
    %mul3A_41 = arith.constant -5.000000e+01 : f32
    %mul3A_42 = vector.broadcast %mul3A_41 : f32 to vector<16xf32>
    %mul3A_43 = arith.mulf %mul3A_42, %add3A_40 : vector<16xf32>
    %get3A_44 = arith.constant 16 : index
    %get3A_45 = tpu.vector_load %arg9[%get3A_44] {strides = array<i32>} : memref<192xf32, #tpu.memory_space<vmem>>, vector<16xf32>,
    %get3A_46 = vector.shape_cast %get3A_45 : vector<16xf32> to vector<16xf32>
    %get3A_47 = arith.constant 64 : index
    %get3A_48 = tpu.vector_load %arg9[%get3A_47] {strides = array<i32>} : memref<192xf32, #tpu.memory_space<vmem>>, vector<16xf32>,
    %get3A_49 = vector.shape_cast %get3A_48 : vector<16xf32> to vector<16xf32>
    %get3A_50 = arith.constant 112 : index
    %get3A_51 = tpu.vector_load %arg9[%get3A_50] {strides = array<i32>} : memref<192xf32, #tpu.memory_space<vmem>>, vector<16xf32>,
    %get3A_52 = vector.shape_cast %get3A_51 : vector<16xf32> to vector<16xf32>
    %get3A_53 = arith.constant 160 : index
    %get3A_54 = tpu.vector_load %arg9[%get3A_53] {strides = array<i32>} : memref<192xf32, #tpu.memory_space<vmem>>, vector<16xf32>,
    %get3A_55 = vector.shape_cast %get3A_54 : vector<16xf32> to vector<16xf32>
    %mul3A_56 = arith.mulf %get3A_46, %get3A_46 : vector<16xf32>
    %mul3A_57 = arith.mulf %get3A_49, %get3A_49 : vector<16xf32>
    %add3A_58 = arith.addf %mul3A_56, %mul3A_57 : vector<16xf32>
    %mul3A_59 = arith.mulf %get3A_52, %get3A_52 : vector<16xf32>
    %add3A_60 = arith.addf %add3A_58, %mul3A_59 : vector<16xf32>
    %mul3A_61 = arith.mulf %get3A_55, %get3A_55 : vector<16xf32>
    %add3A_62 = arith.addf %add3A_60, %mul3A_61 : vector<16xf32>
    %mul3A_63 = arith.constant -5.000000e+01 : f32
    %mul3A_64 = vector.broadcast %mul3A_63 : f32 to vector<16xf32>
    %mul3A_65 = arith.mulf %mul3A_64, %add3A_62 : vector<16xf32>
    %get3A_66 = arith.constant 32 : index
    %get3A_67 = tpu.vector_load %arg9[%get3A_66] {strides = array<i32>} : memref<192xf32, #tpu.memory_space<vmem>>, vector<16xf32>,
    %get3A_68 = vector.shape_cast %get3A_67 : vector<16xf32> to vector<16xf32>
    %get3A_69 = arith.constant 80 : index
    %get3A_70 = tpu.vector_load %arg9[%get3A_69] {strides = array<i32>} : memref<192xf32, #tpu.memory_space<vmem>>, vector<16xf32>,
    %get3A_71 = vector.shape_cast %get3A_70 : vector<16xf32> to vector<16xf32>
    %get3A_72 = arith.constant 128 : index
    %get3A_73 = tpu.vector_load %arg9[%get3A_72] {strides = array<i32>} : memref<192xf32, #tpu.memory_space<vmem>>, vector<16xf32>,
    %get3A_74 = vector.shape_cast %get3A_73 : vector<16xf32> to vector<16xf32>
    %get3A_75 = arith.constant 176 : index
    %get3A_76 = tpu.vector_load %arg9[%get3A_75] {strides = array<i32>} : memref<192xf32, #tpu.memory_space<vmem>>, vector<16xf32>,
    %get3A_77 = vector.shape_cast %get3A_76 : vector<16xf32> to vector<16xf32>
    %mul3A_78 = arith.mulf %get3A_68, %get3A_68 : vector<16xf32>
    %mul3A_79 = arith.mulf %get3A_71, %get3A_71 : vector<16xf32>
    %add3A_80 = arith.addf %mul3A_78, %mul3A_79 : vector<16xf32>
    %mul3A_81 = arith.mulf %get3A_74, %get3A_74 : vector<16xf32>
    %add3A_82 = arith.addf %add3A_80, %mul3A_81 : vector<16xf32>
    %mul3A_83 = arith.mulf %get3A_77, %get3A_77 : vector<16xf32>
    %add3A_84 = arith.addf %add3A_82, %mul3A_83 : vector<16xf32>
    %mul3A_85 = arith.constant -5.000000e+01 : f32
    %mul3A_86 = vector.broadcast %mul3A_85 : f32 to vector<16xf32>
    %mul3A_87 = arith.mulf %mul3A_86, %add3A_84 : vector<16xf32>
    %broadcast_in_dim3A = arith.constant -1.000000e+30 : f32
    %broadcast_in_dim3A_88 = vector.broadcast %broadcast_in_dim3A : f32 to vector<16xf32>
    %broadcast_in_dim3A_89 = arith.constant 0.000000e+00 : f32
    %broadcast_in_dim3A_90 = vector.broadcast %broadcast_in_dim3A_89 : f32 to vector<16xf32>
    %scan3A_91 = arith.constant 0 : i32
    %scan3A_92 = arith.constant 128 : i32
    %scan3A_93 = arith.addi %scan3A_91, %scan3A_92 : i32
    %scan3A_94 = arith.constant 1 : i32
    %scan3A_95:6 = scf.for %scan3A_286 = %scan3A_91 to %scan3A_93 step %scan3A_94 iter_args(%scan3A_287 = %broadcast_in_dim3A_88, %scan3A_288 = %broadcast_in_dim3A_88, %scan3A_289 = %broadcast_in_dim3A_88, %scan3A_290 = %broadcast_in_dim3A_90, %scan3A_291 = %broadcast_in_dim3A_90, %scan3A_292 = %broadcast_in_dim3A_90) -> (vector<16xf32>, vector<16xf32>, vector<16xf32>, vector<16xf32>, vector<16xf32>, vector<16xf32>)  : i32 {
      %mul3A_293 = arith.constant 16 : i32
      %mul3A_294 = arith.muli %scan3A_286, %mul3A_293 : i32
      %add3A_295 = arith.constant 0 : i32
      %add3A_296 = arith.addi %add3A_295, %mul3A_294 : i32
      %get3A_297 = arith.index_cast %add3A_296 : i32 to index
      %get3A_298 = tpu.vector_load %arg6[%get3A_297] {strides = array<i32>} : memref<8192xf32, #tpu.memory_space<vmem>>, vector<16xf32>,
      %get3A_299 = vector.shape_cast %get3A_298 : vector<16xf32> to vector<16xf32>
      %mul3A_300 = arith.constant 16 : i32
      %mul3A_301 = arith.muli %scan3A_286, %mul3A_300 : i32
      %add3A_302 = arith.constant 2048 : i32
      %add3A_303 = arith.addi %add3A_302, %mul3A_301 : i32
      %get3A_304 = arith.index_cast %add3A_303 : i32 to index
      %get3A_305 = tpu.vector_load %arg6[%get3A_304] {strides = array<i32>} : memref<8192xf32, #tpu.memory_space<vmem>>, vector<16xf32>,
      %get3A_306 = vector.shape_cast %get3A_305 : vector<16xf32> to vector<16xf32>
      %mul3A_307 = arith.constant 16 : i32
      %mul3A_308 = arith.muli %scan3A_286, %mul3A_307 : i32
      %add3A_309 = arith.constant 4096 : i32
      %add3A_310 = arith.addi %add3A_309, %mul3A_308 : i32
      %get3A_311 = arith.index_cast %add3A_310 : i32 to index
      %get3A_312 = tpu.vector_load %arg6[%get3A_311] {strides = array<i32>} : memref<8192xf32, #tpu.memory_space<vmem>>, vector<16xf32>,
      %get3A_313 = vector.shape_cast %get3A_312 : vector<16xf32> to vector<16xf32>
      %mul3A_314 = arith.constant 16 : i32
      %mul3A_315 = arith.muli %scan3A_286, %mul3A_314 : i32
      %add3A_316 = arith.constant 6144 : i32
      %add3A_317 = arith.addi %add3A_316, %mul3A_315 : i32
      %get3A_318 = arith.index_cast %add3A_317 : i32 to index
      %get3A_319 = tpu.vector_load %arg6[%get3A_318] {strides = array<i32>} : memref<8192xf32, #tpu.memory_space<vmem>>, vector<16xf32>,
      %get3A_320 = vector.shape_cast %get3A_319 : vector<16xf32> to vector<16xf32>
      %mul3A_321 = arith.constant 16 : i32
      %mul3A_322 = arith.muli %scan3A_286, %mul3A_321 : i32
      %get3A_323 = arith.index_cast %mul3A_322 : i32 to index
      %get3A_324 = tpu.vector_load %arg8[%get3A_323] {strides = array<i32>} : memref<2048xf32, #tpu.memory_space<vmem>>, vector<16xf32>,
      %get3A_325 = vector.shape_cast %get3A_324 : vector<16xf32> to vector<16xf32>
      %slice3A = vector.extract_strided_slice %get3A_299 {offsets = [0], sizes = [1], strides = [1]} : vector<16xf32> to vector<1xf32>
      %squeeze3A = vector.extract %slice3A[0] : f32 from vector<1xf32>
      %slice3A_326 = vector.extract_strided_slice %get3A_306 {offsets = [0], sizes = [1], strides = [1]} : vector<16xf32> to vector<1xf32>
      %squeeze3A_327 = vector.extract %slice3A_326[0] : f32 from vector<1xf32>
      %slice3A_328 = vector.extract_strided_slice %get3A_313 {offsets = [0], sizes = [1], strides = [1]} : vector<16xf32> to vector<1xf32>
      %squeeze3A_329 = vector.extract %slice3A_328[0] : f32 from vector<1xf32>
      %slice3A_330 = vector.extract_strided_slice %get3A_320 {offsets = [0], sizes = [1], strides = [1]} : vector<16xf32> to vector<1xf32>
      %squeeze3A_331 = vector.extract %slice3A_330[0] : f32 from vector<1xf32>
      %slice3A_332 = vector.extract_strided_slice %get3A_325 {offsets = [0], sizes = [1], strides = [1]} : vector<16xf32> to vector<1xf32>
      %squeeze3A_333 = vector.extract %slice3A_332[0] : f32 from vector<1xf32>
      %mul3A_334 = vector.broadcast %squeeze3A : f32 to vector<16xf32>
      %mul3A_335 = arith.mulf %get3A_24, %mul3A_334 : vector<16xf32>
      %mul3A_336 = vector.broadcast %squeeze3A_327 : f32 to vector<16xf32>
      %mul3A_337 = arith.mulf %get3A_27, %mul3A_336 : vector<16xf32>
      %add3A_338 = arith.addf %mul3A_335, %mul3A_337 : vector<16xf32>
      %mul3A_339 = vector.broadcast %squeeze3A_329 : f32 to vector<16xf32>
      %mul3A_340 = arith.mulf %get3A_30, %mul3A_339 : vector<16xf32>
      %add3A_341 = arith.addf %add3A_338, %mul3A_340 : vector<16xf32>
      %mul3A_342 = vector.broadcast %squeeze3A_331 : f32 to vector<16xf32>
      %mul3A_343 = arith.mulf %get3A_33, %mul3A_342 : vector<16xf32>
      %add3A_344 = arith.addf %add3A_341, %mul3A_343 : vector<16xf32>
      %add3A_345 = vector.broadcast %squeeze3A_333 : f32 to vector<16xf32>
      %add3A_346 = arith.addf %mul3A_43, %add3A_345 : vector<16xf32>
      %add3A_347 = arith.addf %add3A_346, %add3A_344 : vector<16xf32>
      %mul3A_348 = vector.broadcast %squeeze3A : f32 to vector<16xf32>
      %mul3A_349 = arith.mulf %get3A_46, %mul3A_348 : vector<16xf32>
      %mul3A_350 = vector.broadcast %squeeze3A_327 : f32 to vector<16xf32>
      %mul3A_351 = arith.mulf %get3A_49, %mul3A_350 : vector<16xf32>
      %add3A_352 = arith.addf %mul3A_349, %mul3A_351 : vector<16xf32>
      %mul3A_353 = vector.broadcast %squeeze3A_329 : f32 to vector<16xf32>
      %mul3A_354 = arith.mulf %get3A_52, %mul3A_353 : vector<16xf32>
      %add3A_355 = arith.addf %add3A_352, %mul3A_354 : vector<16xf32>
      %mul3A_356 = vector.broadcast %squeeze3A_331 : f32 to vector<16xf32>
      %mul3A_357 = arith.mulf %get3A_55, %mul3A_356 : vector<16xf32>
      %add3A_358 = arith.addf %add3A_355, %mul3A_357 : vector<16xf32>
      %add3A_359 = vector.broadcast %squeeze3A_333 : f32 to vector<16xf32>
      %add3A_360 = arith.addf %mul3A_65, %add3A_359 : vector<16xf32>
      %add3A_361 = arith.addf %add3A_360, %add3A_358 : vector<16xf32>
      %mul3A_362 = vector.broadcast %squeeze3A : f32 to vector<16xf32>
      %mul3A_363 = arith.mulf %get3A_68, %mul3A_362 : vector<16xf32>
      %mul3A_364 = vector.broadcast %squeeze3A_327 : f32 to vector<16xf32>
      %mul3A_365 = arith.mulf %get3A_71, %mul3A_364 : vector<16xf32>
      %add3A_366 = arith.addf %mul3A_363, %mul3A_365 : vector<16xf32>
      %mul3A_367 = vector.broadcast %squeeze3A_329 : f32 to vector<16xf32>
      %mul3A_368 = arith.mulf %get3A_74, %mul3A_367 : vector<16xf32>
      %add3A_369 = arith.addf %add3A_366, %mul3A_368 : vector<16xf32>
      %mul3A_370 = vector.broadcast %squeeze3A_331 : f32 to vector<16xf32>
      %mul3A_371 = arith.mulf %get3A_77, %mul3A_370 : vector<16xf32>
      %add3A_372 = arith.addf %add3A_369, %mul3A_371 : vector<16xf32>
      %add3A_373 = vector.broadcast %squeeze3A_333 : f32 to vector<16xf32>
      %add3A_374 = arith.addf %mul3A_87, %add3A_373 : vector<16xf32>
      %add3A_375 = arith.addf %add3A_374, %add3A_372 : vector<16xf32>
      %slice3A_376 = vector.extract_strided_slice %get3A_299 {offsets = [1], sizes = [1], strides = [1]} : vector<16xf32> to vector<1xf32>
      %squeeze3A_377 = vector.extract %slice3A_376[0] : f32 from vector<1xf32>
      %slice3A_378 = vector.extract_strided_slice %get3A_306 {offsets = [1], sizes = [1], strides = [1]} : vector<16xf32> to vector<1xf32>
      %squeeze3A_379 = vector.extract %slice3A_378[0] : f32 from vector<1xf32>
      %slice3A_380 = vector.extract_strided_slice %get3A_313 {offsets = [1], sizes = [1], strides = [1]} : vector<16xf32> to vector<1xf32>
      %squeeze3A_381 = vector.extract %slice3A_380[0] : f32 from vector<1xf32>
      %slice3A_382 = vector.extract_strided_slice %get3A_320 {offsets = [1], sizes = [1], strides = [1]} : vector<16xf32> to vector<1xf32>
      %squeeze3A_383 = vector.extract %slice3A_382[0] : f32 from vector<1xf32>
      %slice3A_384 = vector.extract_strided_slice %get3A_325 {offsets = [1], sizes = [1], strides = [1]} : vector<16xf32> to vector<1xf32>
      %squeeze3A_385 = vector.extract %slice3A_384[0] : f32 from vector<1xf32>
      %mul3A_386 = vector.broadcast %squeeze3A_377 : f32 to vector<16xf32>
      %mul3A_387 = arith.mulf %get3A_24, %mul3A_386 : vector<16xf32>
      %mul3A_388 = vector.broadcast %squeeze3A_379 : f32 to vector<16xf32>
      %mul3A_389 = arith.mulf %get3A_27, %mul3A_388 : vector<16xf32>
      %add3A_390 = arith.addf %mul3A_387, %mul3A_389 : vector<16xf32>
      %mul3A_391 = vector.broadcast %squeeze3A_381 : f32 to vector<16xf32>
      %mul3A_392 = arith.mulf %get3A_30, %mul3A_391 : vector<16xf32>
      %add3A_393 = arith.addf %add3A_390, %mul3A_392 : vector<16xf32>
      %mul3A_394 = vector.broadcast %squeeze3A_383 : f32 to vector<16xf32>
      %mul3A_395 = arith.mulf %get3A_33, %mul3A_394 : vector<16xf32>
      %add3A_396 = arith.addf %add3A_393, %mul3A_395 : vector<16xf32>
      %add3A_397 = vector.broadcast %squeeze3A_385 : f32 to vector<16xf32>
      %add3A_398 = arith.addf %mul3A_43, %add3A_397 : vector<16xf32>
      %add3A_399 = arith.addf %add3A_398, %add3A_396 : vector<16xf32>
      %mul3A_400 = vector.broadcast %squeeze3A_377 : f32 to vector<16xf32>
      %mul3A_401 = arith.mulf %get3A_46, %mul3A_400 : vector<16xf32>
      %mul3A_402 = vector.broadcast %squeeze3A_379 : f32 to vector<16xf32>
      %mul3A_403 = arith.mulf %get3A_49, %mul3A_402 : vector<16xf32>
      %add3A_404 = arith.addf %mul3A_401, %mul3A_403 : vector<16xf32>
      %mul3A_405 = vector.broadcast %squeeze3A_381 : f32 to vector<16xf32>
      %mul3A_406 = arith.mulf %get3A_52, %mul3A_405 : vector<16xf32>
      %add3A_407 = arith.addf %add3A_404, %mul3A_406 : vector<16xf32>
      %mul3A_408 = vector.broadcast %squeeze3A_383 : f32 to vector<16xf32>
      %mul3A_409 = arith.mulf %get3A_55, %mul3A_408 : vector<16xf32>
      %add3A_410 = arith.addf %add3A_407, %mul3A_409 : vector<16xf32>
      %add3A_411 = vector.broadcast %squeeze3A_385 : f32 to vector<16xf32>
      %add3A_412 = arith.addf %mul3A_65, %add3A_411 : vector<16xf32>
      %add3A_413 = arith.addf %add3A_412, %add3A_410 : vector<16xf32>
      %mul3A_414 = vector.broadcast %squeeze3A_377 : f32 to vector<16xf32>
      %mul3A_415 = arith.mulf %get3A_68, %mul3A_414 : vector<16xf32>
      %mul3A_416 = vector.broadcast %squeeze3A_379 : f32 to vector<16xf32>
      %mul3A_417 = arith.mulf %get3A_71, %mul3A_416 : vector<16xf32>
      %add3A_418 = arith.addf %mul3A_415, %mul3A_417 : vector<16xf32>
      %mul3A_419 = vector.broadcast %squeeze3A_381 : f32 to vector<16xf32>
      %mul3A_420 = arith.mulf %get3A_74, %mul3A_419 : vector<16xf32>
      %add3A_421 = arith.addf %add3A_418, %mul3A_420 : vector<16xf32>
      %mul3A_422 = vector.broadcast %squeeze3A_383 : f32 to vector<16xf32>
      %mul3A_423 = arith.mulf %get3A_77, %mul3A_422 : vector<16xf32>
      %add3A_424 = arith.addf %add3A_421, %mul3A_423 : vector<16xf32>
      %add3A_425 = vector.broadcast %squeeze3A_385 : f32 to vector<16xf32>
      %add3A_426 = arith.addf %mul3A_87, %add3A_425 : vector<16xf32>
      %add3A_427 = arith.addf %add3A_426, %add3A_424 : vector<16xf32>
      %slice3A_428 = vector.extract_strided_slice %get3A_299 {offsets = [2], sizes = [1], strides = [1]} : vector<16xf32> to vector<1xf32>
      %squeeze3A_429 = vector.extract %slice3A_428[0] : f32 from vector<1xf32>
      %slice3A_430 = vector.extract_strided_slice %get3A_306 {offsets = [2], sizes = [1], strides = [1]} : vector<16xf32> to vector<1xf32>
      %squeeze3A_431 = vector.extract %slice3A_430[0] : f32 from vector<1xf32>
      %slice3A_432 = vector.extract_strided_slice %get3A_313 {offsets = [2], sizes = [1], strides = [1]} : vector<16xf32> to vector<1xf32>
      %squeeze3A_433 = vector.extract %slice3A_432[0] : f32 from vector<1xf32>
      %slice3A_434 = vector.extract_strided_slice %get3A_320 {offsets = [2], sizes = [1], strides = [1]} : vector<16xf32> to vector<1xf32>
      %squeeze3A_435 = vector.extract %slice3A_434[0] : f32 from vector<1xf32>
      %slice3A_436 = vector.extract_strided_slice %get3A_325 {offsets = [2], sizes = [1], strides = [1]} : vector<16xf32> to vector<1xf32>
      %squeeze3A_437 = vector.extract %slice3A_436[0] : f32 from vector<1xf32>
      %mul3A_438 = vector.broadcast %squeeze3A_429 : f32 to vector<16xf32>
      %mul3A_439 = arith.mulf %get3A_24, %mul3A_438 : vector<16xf32>
      %mul3A_440 = vector.broadcast %squeeze3A_431 : f32 to vector<16xf32>
      %mul3A_441 = arith.mulf %get3A_27, %mul3A_440 : vector<16xf32>
      %add3A_442 = arith.addf %mul3A_439, %mul3A_441 : vector<16xf32>
      %mul3A_443 = vector.broadcast %squeeze3A_433 : f32 to vector<16xf32>
      %mul3A_444 = arith.mulf %get3A_30, %mul3A_443 : vector<16xf32>
      %add3A_445 = arith.addf %add3A_442, %mul3A_444 : vector<16xf32>
      %mul3A_446 = vector.broadcast %squeeze3A_435 : f32 to vector<16xf32>
      %mul3A_447 = arith.mulf %get3A_33, %mul3A_446 : vector<16xf32>
      %add3A_448 = arith.addf %add3A_445, %mul3A_447 : vector<16xf32>
      %add3A_449 = vector.broadcast %squeeze3A_437 : f32 to vector<16xf32>
      %add3A_450 = arith.addf %mul3A_43, %add3A_449 : vector<16xf32>
      %add3A_451 = arith.addf %add3A_450, %add3A_448 : vector<16xf32>
      %mul3A_452 = vector.broadcast %squeeze3A_429 : f32 to vector<16xf32>
      %mul3A_453 = arith.mulf %get3A_46, %mul3A_452 : vector<16xf32>
      %mul3A_454 = vector.broadcast %squeeze3A_431 : f32 to vector<16xf32>
      %mul3A_455 = arith.mulf %get3A_49, %mul3A_454 : vector<16xf32>
      %add3A_456 = arith.addf %mul3A_453, %mul3A_455 : vector<16xf32>
      %mul3A_457 = vector.broadcast %squeeze3A_433 : f32 to vector<16xf32>
      %mul3A_458 = arith.mulf %get3A_52, %mul3A_457 : vector<16xf32>
      %add3A_459 = arith.addf %add3A_456, %mul3A_458 : vector<16xf32>
      %mul3A_460 = vector.broadcast %squeeze3A_435 : f32 to vector<16xf32>
      %mul3A_461 = arith.mulf %get3A_55, %mul3A_460 : vector<16xf32>
      %add3A_462 = arith.addf %add3A_459, %mul3A_461 : vector<16xf32>
      %add3A_463 = vector.broadcast %squeeze3A_437 : f32 to vector<16xf32>
      %add3A_464 = arith.addf %mul3A_65, %add3A_463 : vector<16xf32>
      %add3A_465 = arith.addf %add3A_464, %add3A_462 : vector<16xf32>
      %mul3A_466 = vector.broadcast %squeeze3A_429 : f32 to vector<16xf32>
      %mul3A_467 = arith.mulf %get3A_68, %mul3A_466 : vector<16xf32>
      %mul3A_468 = vector.broadcast %squeeze3A_431 : f32 to vector<16xf32>
      %mul3A_469 = arith.mulf %get3A_71, %mul3A_468 : vector<16xf32>
      %add3A_470 = arith.addf %mul3A_467, %mul3A_469 : vector<16xf32>
      %mul3A_471 = vector.broadcast %squeeze3A_433 : f32 to vector<16xf32>
      %mul3A_472 = arith.mulf %get3A_74, %mul3A_471 : vector<16xf32>
      %add3A_473 = arith.addf %add3A_470, %mul3A_472 : vector<16xf32>
      %mul3A_474 = vector.broadcast %squeeze3A_435 : f32 to vector<16xf32>
      %mul3A_475 = arith.mulf %get3A_77, %mul3A_474 : vector<16xf32>
      %add3A_476 = arith.addf %add3A_473, %mul3A_475 : vector<16xf32>
      %add3A_477 = vector.broadcast %squeeze3A_437 : f32 to vector<16xf32>
      %add3A_478 = arith.addf %mul3A_87, %add3A_477 : vector<16xf32>
      %add3A_479 = arith.addf %add3A_478, %add3A_476 : vector<16xf32>
      %slice3A_480 = vector.extract_strided_slice %get3A_299 {offsets = [3], sizes = [1], strides = [1]} : vector<16xf32> to vector<1xf32>
      %squeeze3A_481 = vector.extract %slice3A_480[0] : f32 from vector<1xf32>
      %slice3A_482 = vector.extract_strided_slice %get3A_306 {offsets = [3], sizes = [1], strides = [1]} : vector<16xf32> to vector<1xf32>
      %squeeze3A_483 = vector.extract %slice3A_482[0] : f32 from vector<1xf32>
      %slice3A_484 = vector.extract_strided_slice %get3A_313 {offsets = [3], sizes = [1], strides = [1]} : vector<16xf32> to vector<1xf32>
      %squeeze3A_485 = vector.extract %slice3A_484[0] : f32 from vector<1xf32>
      %slice3A_486 = vector.extract_strided_slice %get3A_320 {offsets = [3], sizes = [1], strides = [1]} : vector<16xf32> to vector<1xf32>
      %squeeze3A_487 = vector.extract %slice3A_486[0] : f32 from vector<1xf32>
      %slice3A_488 = vector.extract_strided_slice %get3A_325 {offsets = [3], sizes = [1], strides = [1]} : vector<16xf32> to vector<1xf32>
      %squeeze3A_489 = vector.extract %slice3A_488[0] : f32 from vector<1xf32>
      %mul3A_490 = vector.broadcast %squeeze3A_481 : f32 to vector<16xf32>
      %mul3A_491 = arith.mulf %get3A_24, %mul3A_490 : vector<16xf32>
      %mul3A_492 = vector.broadcast %squeeze3A_483 : f32 to vector<16xf32>
      %mul3A_493 = arith.mulf %get3A_27, %mul3A_492 : vector<16xf32>
      %add3A_494 = arith.addf %mul3A_491, %mul3A_493 : vector<16xf32>
      %mul3A_495 = vector.broadcast %squeeze3A_485 : f32 to vector<16xf32>
      %mul3A_496 = arith.mulf %get3A_30, %mul3A_495 : vector<16xf32>
      %add3A_497 = arith.addf %add3A_494, %mul3A_496 : vector<16xf32>
      %mul3A_498 = vector.broadcast %squeeze3A_487 : f32 to vector<16xf32>
      %mul3A_499 = arith.mulf %get3A_33, %mul3A_498 : vector<16xf32>
      %add3A_500 = arith.addf %add3A_497, %mul3A_499 : vector<16xf32>
      %add3A_501 = vector.broadcast %squeeze3A_489 : f32 to vector<16xf32>
      %add3A_502 = arith.addf %mul3A_43, %add3A_501 : vector<16xf32>
      %add3A_503 = arith.addf %add3A_502, %add3A_500 : vector<16xf32>
      %mul3A_504 = vector.broadcast %squeeze3A_481 : f32 to vector<16xf32>
      %mul3A_505 = arith.mulf %get3A_46, %mul3A_504 : vector<16xf32>
      %mul3A_506 = vector.broadcast %squeeze3A_483 : f32 to vector<16xf32>
      %mul3A_507 = arith.mulf %get3A_49, %mul3A_506 : vector<16xf32>
      %add3A_508 = arith.addf %mul3A_505, %mul3A_507 : vector<16xf32>
      %mul3A_509 = vector.broadcast %squeeze3A_485 : f32 to vector<16xf32>
      %mul3A_510 = arith.mulf %get3A_52, %mul3A_509 : vector<16xf32>
      %add3A_511 = arith.addf %add3A_508, %mul3A_510 : vector<16xf32>
      %mul3A_512 = vector.broadcast %squeeze3A_487 : f32 to vector<16xf32>
      %mul3A_513 = arith.mulf %get3A_55, %mul3A_512 : vector<16xf32>
      %add3A_514 = arith.addf %add3A_511, %mul3A_513 : vector<16xf32>
      %add3A_515 = vector.broadcast %squeeze3A_489 : f32 to vector<16xf32>
      %add3A_516 = arith.addf %mul3A_65, %add3A_515 : vector<16xf32>
      %add3A_517 = arith.addf %add3A_516, %add3A_514 : vector<16xf32>
      %mul3A_518 = vector.broadcast %squeeze3A_481 : f32 to vector<16xf32>
      %mul3A_519 = arith.mulf %get3A_68, %mul3A_518 : vector<16xf32>
      %mul3A_520 = vector.broadcast %squeeze3A_483 : f32 to vector<16xf32>
      %mul3A_521 = arith.mulf %get3A_71, %mul3A_520 : vector<16xf32>
      %add3A_522 = arith.addf %mul3A_519, %mul3A_521 : vector<16xf32>
      %mul3A_523 = vector.broadcast %squeeze3A_485 : f32 to vector<16xf32>
      %mul3A_524 = arith.mulf %get3A_74, %mul3A_523 : vector<16xf32>
      %add3A_525 = arith.addf %add3A_522, %mul3A_524 : vector<16xf32>
      %mul3A_526 = vector.broadcast %squeeze3A_487 : f32 to vector<16xf32>
      %mul3A_527 = arith.mulf %get3A_77, %mul3A_526 : vector<16xf32>
      %add3A_528 = arith.addf %add3A_525, %mul3A_527 : vector<16xf32>
      %add3A_529 = vector.broadcast %squeeze3A_489 : f32 to vector<16xf32>
      %add3A_530 = arith.addf %mul3A_87, %add3A_529 : vector<16xf32>
      %add3A_531 = arith.addf %add3A_530, %add3A_528 : vector<16xf32>
      %max3A = arith.maximumf %scan3A_287, %add3A_347 : vector<16xf32>
      %max3A_532 = arith.maximumf %max3A, %add3A_399 : vector<16xf32>
      %max3A_533 = arith.maximumf %max3A_532, %add3A_451 : vector<16xf32>
      %max3A_534 = arith.maximumf %max3A_533, %add3A_503 : vector<16xf32>
      %sub3A_535 = arith.subf %add3A_347, %max3A_534 : vector<16xf32>
      %exp3A = math.exp %sub3A_535 : vector<16xf32>
      %sub3A_536 = arith.subf %add3A_399, %max3A_534 : vector<16xf32>
      %exp3A_537 = math.exp %sub3A_536 : vector<16xf32>
      %add3A_538 = arith.addf %exp3A, %exp3A_537 : vector<16xf32>
      %sub3A_539 = arith.subf %add3A_451, %max3A_534 : vector<16xf32>
      %exp3A_540 = math.exp %sub3A_539 : vector<16xf32>
      %sub3A_541 = arith.subf %add3A_503, %max3A_534 : vector<16xf32>
      %exp3A_542 = math.exp %sub3A_541 : vector<16xf32>
      %add3A_543 = arith.addf %exp3A_540, %exp3A_542 : vector<16xf32>
      %sub3A_544 = arith.subf %scan3A_287, %max3A_534 : vector<16xf32>
      %exp3A_545 = math.exp %sub3A_544 : vector<16xf32>
      %mul3A_546 = arith.mulf %scan3A_290, %exp3A_545 : vector<16xf32>
      %add3A_547 = arith.addf %add3A_538, %add3A_543 : vector<16xf32>
      %add3A_548 = arith.addf %mul3A_546, %add3A_547 : vector<16xf32>
      %max3A_549 = arith.maximumf %scan3A_288, %add3A_361 : vector<16xf32>
      %max3A_550 = arith.maximumf %max3A_549, %add3A_413 : vector<16xf32>
      %max3A_551 = arith.maximumf %max3A_550, %add3A_465 : vector<16xf32>
      %max3A_552 = arith.maximumf %max3A_551, %add3A_517 : vector<16xf32>
      %sub3A_553 = arith.subf %add3A_361, %max3A_552 : vector<16xf32>
      %exp3A_554 = math.exp %sub3A_553 : vector<16xf32>
      %sub3A_555 = arith.subf %add3A_413, %max3A_552 : vector<16xf32>
      %exp3A_556 = math.exp %sub3A_555 : vector<16xf32>
      %add3A_557 = arith.addf %exp3A_554, %exp3A_556 : vector<16xf32>
      %sub3A_558 = arith.subf %add3A_465, %max3A_552 : vector<16xf32>
      %exp3A_559 = math.exp %sub3A_558 : vector<16xf32>
      %sub3A_560 = arith.subf %add3A_517, %max3A_552 : vector<16xf32>
      %exp3A_561 = math.exp %sub3A_560 : vector<16xf32>
      %add3A_562 = arith.addf %exp3A_559, %exp3A_561 : vector<16xf32>
      %sub3A_563 = arith.subf %scan3A_288, %max3A_552 : vector<16xf32>
      %exp3A_564 = math.exp %sub3A_563 : vector<16xf32>
      %mul3A_565 = arith.mulf %scan3A_291, %exp3A_564 : vector<16xf32>
      %add3A_566 = arith.addf %add3A_557, %add3A_562 : vector<16xf32>
      %add3A_567 = arith.addf %mul3A_565, %add3A_566 : vector<16xf32>
      %max3A_568 = arith.maximumf %scan3A_289, %add3A_375 : vector<16xf32>
      %max3A_569 = arith.maximumf %max3A_568, %add3A_427 : vector<16xf32>
      %max3A_570 = arith.maximumf %max3A_569, %add3A_479 : vector<16xf32>
      %max3A_571 = arith.maximumf %max3A_570, %add3A_531 : vector<16xf32>
      %sub3A_572 = arith.subf %add3A_375, %max3A_571 : vector<16xf32>
      %exp3A_573 = math.exp %sub3A_572 : vector<16xf32>
      %sub3A_574 = arith.subf %add3A_427, %max3A_571 : vector<16xf32>
      %exp3A_575 = math.exp %sub3A_574 : vector<16xf32>
      %add3A_576 = arith.addf %exp3A_573, %exp3A_575 : vector<16xf32>
      %sub3A_577 = arith.subf %add3A_479, %max3A_571 : vector<16xf32>
      %exp3A_578 = math.exp %sub3A_577 : vector<16xf32>
      %sub3A_579 = arith.subf %add3A_531, %max3A_571 : vector<16xf32>
      %exp3A_580 = math.exp %sub3A_579 : vector<16xf32>
      %add3A_581 = arith.addf %exp3A_578, %exp3A_580 : vector<16xf32>
      %sub3A_582 = arith.subf %scan3A_289, %max3A_571 : vector<16xf32>
      %exp3A_583 = math.exp %sub3A_582 : vector<16xf32>
      %mul3A_584 = arith.mulf %scan3A_292, %exp3A_583 : vector<16xf32>
      %add3A_585 = arith.addf %add3A_576, %add3A_581 : vector<16xf32>
      %add3A_586 = arith.addf %mul3A_584, %add3A_585 : vector<16xf32>
      %slice3A_587 = vector.extract_strided_slice %get3A_299 {offsets = [4], sizes = [1], strides = [1]} : vector<16xf32> to vector<1xf32>
      %squeeze3A_588 = vector.extract %slice3A_587[0] : f32 from vector<1xf32>
      %slice3A_589 = vector.extract_strided_slice %get3A_306 {offsets = [4], sizes = [1], strides = [1]} : vector<16xf32> to vector<1xf32>
      %squeeze3A_590 = vector.extract %slice3A_589[0] : f32 from vector<1xf32>
      %slice3A_591 = vector.extract_strided_slice %get3A_313 {offsets = [4], sizes = [1], strides = [1]} : vector<16xf32> to vector<1xf32>
      %squeeze3A_592 = vector.extract %slice3A_591[0] : f32 from vector<1xf32>
      %slice3A_593 = vector.extract_strided_slice %get3A_320 {offsets = [4], sizes = [1], strides = [1]} : vector<16xf32> to vector<1xf32>
      %squeeze3A_594 = vector.extract %slice3A_593[0] : f32 from vector<1xf32>
      %slice3A_595 = vector.extract_strided_slice %get3A_325 {offsets = [4], sizes = [1], strides = [1]} : vector<16xf32> to vector<1xf32>
      %squeeze3A_596 = vector.extract %slice3A_595[0] : f32 from vector<1xf32>
      %mul3A_597 = vector.broadcast %squeeze3A_588 : f32 to vector<16xf32>
      %mul3A_598 = arith.mulf %get3A_24, %mul3A_597 : vector<16xf32>
      %mul3A_599 = vector.broadcast %squeeze3A_590 : f32 to vector<16xf32>
      %mul3A_600 = arith.mulf %get3A_27, %mul3A_599 : vector<16xf32>
      %add3A_601 = arith.addf %mul3A_598, %mul3A_600 : vector<16xf32>
      %mul3A_602 = vector.broadcast %squeeze3A_592 : f32 to vector<16xf32>
      %mul3A_603 = arith.mulf %get3A_30, %mul3A_602 : vector<16xf32>
      %add3A_604 = arith.addf %add3A_601, %mul3A_603 : vector<16xf32>
      %mul3A_605 = vector.broadcast %squeeze3A_594 : f32 to vector<16xf32>
      %mul3A_606 = arith.mulf %get3A_33, %mul3A_605 : vector<16xf32>
      %add3A_607 = arith.addf %add3A_604, %mul3A_606 : vector<16xf32>
      %add3A_608 = vector.broadcast %squeeze3A_596 : f32 to vector<16xf32>
      %add3A_609 = arith.addf %mul3A_43, %add3A_608 : vector<16xf32>
      %add3A_610 = arith.addf %add3A_609, %add3A_607 : vector<16xf32>
      %mul3A_611 = vector.broadcast %squeeze3A_588 : f32 to vector<16xf32>
      %mul3A_612 = arith.mulf %get3A_46, %mul3A_611 : vector<16xf32>
      %mul3A_613 = vector.broadcast %squeeze3A_590 : f32 to vector<16xf32>
      %mul3A_614 = arith.mulf %get3A_49, %mul3A_613 : vector<16xf32>
      %add3A_615 = arith.addf %mul3A_612, %mul3A_614 : vector<16xf32>
      %mul3A_616 = vector.broadcast %squeeze3A_592 : f32 to vector<16xf32>
      %mul3A_617 = arith.mulf %get3A_52, %mul3A_616 : vector<16xf32>
      %add3A_618 = arith.addf %add3A_615, %mul3A_617 : vector<16xf32>
      %mul3A_619 = vector.broadcast %squeeze3A_594 : f32 to vector<16xf32>
      %mul3A_620 = arith.mulf %get3A_55, %mul3A_619 : vector<16xf32>
      %add3A_621 = arith.addf %add3A_618, %mul3A_620 : vector<16xf32>
      %add3A_622 = vector.broadcast %squeeze3A_596 : f32 to vector<16xf32>
      %add3A_623 = arith.addf %mul3A_65, %add3A_622 : vector<16xf32>
      %add3A_624 = arith.addf %add3A_623, %add3A_621 : vector<16xf32>
      %mul3A_625 = vector.broadcast %squeeze3A_588 : f32 to vector<16xf32>
      %mul3A_626 = arith.mulf %get3A_68, %mul3A_625 : vector<16xf32>
      %mul3A_627 = vector.broadcast %squeeze3A_590 : f32 to vector<16xf32>
      %mul3A_628 = arith.mulf %get3A_71, %mul3A_627 : vector<16xf32>
      %add3A_629 = arith.addf %mul3A_626, %mul3A_628 : vector<16xf32>
      %mul3A_630 = vector.broadcast %squeeze3A_592 : f32 to vector<16xf32>
      %mul3A_631 = arith.mulf %get3A_74, %mul3A_630 : vector<16xf32>
      %add3A_632 = arith.addf %add3A_629, %mul3A_631 : vector<16xf32>
      %mul3A_633 = vector.broadcast %squeeze3A_594 : f32 to vector<16xf32>
      %mul3A_634 = arith.mulf %get3A_77, %mul3A_633 : vector<16xf32>
      %add3A_635 = arith.addf %add3A_632, %mul3A_634 : vector<16xf32>
      %add3A_636 = vector.broadcast %squeeze3A_596 : f32 to vector<16xf32>
      %add3A_637 = arith.addf %mul3A_87, %add3A_636 : vector<16xf32>
      %add3A_638 = arith.addf %add3A_637, %add3A_635 : vector<16xf32>
      %slice3A_639 = vector.extract_strided_slice %get3A_299 {offsets = [5], sizes = [1], strides = [1]} : vector<16xf32> to vector<1xf32>
      %squeeze3A_640 = vector.extract %slice3A_639[0] : f32 from vector<1xf32>
      %slice3A_641 = vector.extract_strided_slice %get3A_306 {offsets = [5], sizes = [1], strides = [1]} : vector<16xf32> to vector<1xf32>
      %squeeze3A_642 = vector.extract %slice3A_641[0] : f32 from vector<1xf32>
      %slice3A_643 = vector.extract_strided_slice %get3A_313 {offsets = [5], sizes = [1], strides = [1]} : vector<16xf32> to vector<1xf32>
      %squeeze3A_644 = vector.extract %slice3A_643[0] : f32 from vector<1xf32>
      %slice3A_645 = vector.extract_strided_slice %get3A_320 {offsets = [5], sizes = [1], strides = [1]} : vector<16xf32> to vector<1xf32>
      %squeeze3A_646 = vector.extract %slice3A_645[0] : f32 from vector<1xf32>
      %slice3A_647 = vector.extract_strided_slice %get3A_325 {offsets = [5], sizes = [1], strides = [1]} : vector<16xf32> to vector<1xf32>
      %squeeze3A_648 = vector.extract %slice3A_647[0] : f32 from vector<1xf32>
      %mul3A_649 = vector.broadcast %squeeze3A_640 : f32 to vector<16xf32>
      %mul3A_650 = arith.mulf %get3A_24, %mul3A_649 : vector<16xf32>
      %mul3A_651 = vector.broadcast %squeeze3A_642 : f32 to vector<16xf32>
      %mul3A_652 = arith.mulf %get3A_27, %mul3A_651 : vector<16xf32>
      %add3A_653 = arith.addf %mul3A_650, %mul3A_652 : vector<16xf32>
      %mul3A_654 = vector.broadcast %squeeze3A_644 : f32 to vector<16xf32>
      %mul3A_655 = arith.mulf %get3A_30, %mul3A_654 : vector<16xf32>
      %add3A_656 = arith.addf %add3A_653, %mul3A_655 : vector<16xf32>
      %mul3A_657 = vector.broadcast %squeeze3A_646 : f32 to vector<16xf32>
      %mul3A_658 = arith.mulf %get3A_33, %mul3A_657 : vector<16xf32>
      %add3A_659 = arith.addf %add3A_656, %mul3A_658 : vector<16xf32>
      %add3A_660 = vector.broadcast %squeeze3A_648 : f32 to vector<16xf32>
      %add3A_661 = arith.addf %mul3A_43, %add3A_660 : vector<16xf32>
      %add3A_662 = arith.addf %add3A_661, %add3A_659 : vector<16xf32>
      %mul3A_663 = vector.broadcast %squeeze3A_640 : f32 to vector<16xf32>
      %mul3A_664 = arith.mulf %get3A_46, %mul3A_663 : vector<16xf32>
      %mul3A_665 = vector.broadcast %squeeze3A_642 : f32 to vector<16xf32>
      %mul3A_666 = arith.mulf %get3A_49, %mul3A_665 : vector<16xf32>
      %add3A_667 = arith.addf %mul3A_664, %mul3A_666 : vector<16xf32>
      %mul3A_668 = vector.broadcast %squeeze3A_644 : f32 to vector<16xf32>
      %mul3A_669 = arith.mulf %get3A_52, %mul3A_668 : vector<16xf32>
      %add3A_670 = arith.addf %add3A_667, %mul3A_669 : vector<16xf32>
      %mul3A_671 = vector.broadcast %squeeze3A_646 : f32 to vector<16xf32>
      %mul3A_672 = arith.mulf %get3A_55, %mul3A_671 : vector<16xf32>
      %add3A_673 = arith.addf %add3A_670, %mul3A_672 : vector<16xf32>
      %add3A_674 = vector.broadcast %squeeze3A_648 : f32 to vector<16xf32>
      %add3A_675 = arith.addf %mul3A_65, %add3A_674 : vector<16xf32>
      %add3A_676 = arith.addf %add3A_675, %add3A_673 : vector<16xf32>
      %mul3A_677 = vector.broadcast %squeeze3A_640 : f32 to vector<16xf32>
      %mul3A_678 = arith.mulf %get3A_68, %mul3A_677 : vector<16xf32>
      %mul3A_679 = vector.broadcast %squeeze3A_642 : f32 to vector<16xf32>
      %mul3A_680 = arith.mulf %get3A_71, %mul3A_679 : vector<16xf32>
      %add3A_681 = arith.addf %mul3A_678, %mul3A_680 : vector<16xf32>
      %mul3A_682 = vector.broadcast %squeeze3A_644 : f32 to vector<16xf32>
      %mul3A_683 = arith.mulf %get3A_74, %mul3A_682 : vector<16xf32>
      %add3A_684 = arith.addf %add3A_681, %mul3A_683 : vector<16xf32>
      %mul3A_685 = vector.broadcast %squeeze3A_646 : f32 to vector<16xf32>
      %mul3A_686 = arith.mulf %get3A_77, %mul3A_685 : vector<16xf32>
      %add3A_687 = arith.addf %add3A_684, %mul3A_686 : vector<16xf32>
      %add3A_688 = vector.broadcast %squeeze3A_648 : f32 to vector<16xf32>
      %add3A_689 = arith.addf %mul3A_87, %add3A_688 : vector<16xf32>
      %add3A_690 = arith.addf %add3A_689, %add3A_687 : vector<16xf32>
      %slice3A_691 = vector.extract_strided_slice %get3A_299 {offsets = [6], sizes = [1], strides = [1]} : vector<16xf32> to vector<1xf32>
      %squeeze3A_692 = vector.extract %slice3A_691[0] : f32 from vector<1xf32>
      %slice3A_693 = vector.extract_strided_slice %get3A_306 {offsets = [6], sizes = [1], strides = [1]} : vector<16xf32> to vector<1xf32>
      %squeeze3A_694 = vector.extract %slice3A_693[0] : f32 from vector<1xf32>
      %slice3A_695 = vector.extract_strided_slice %get3A_313 {offsets = [6], sizes = [1], strides = [1]} : vector<16xf32> to vector<1xf32>
      %squeeze3A_696 = vector.extract %slice3A_695[0] : f32 from vector<1xf32>
      %slice3A_697 = vector.extract_strided_slice %get3A_320 {offsets = [6], sizes = [1], strides = [1]} : vector<16xf32> to vector<1xf32>
      %squeeze3A_698 = vector.extract %slice3A_697[0] : f32 from vector<1xf32>
      %slice3A_699 = vector.extract_strided_slice %get3A_325 {offsets = [6], sizes = [1], strides = [1]} : vector<16xf32> to vector<1xf32>
      %squeeze3A_700 = vector.extract %slice3A_699[0] : f32 from vector<1xf32>
      %mul3A_701 = vector.broadcast %squeeze3A_692 : f32 to vector<16xf32>
      %mul3A_702 = arith.mulf %get3A_24, %mul3A_701 : vector<16xf32>
      %mul3A_703 = vector.broadcast %squeeze3A_694 : f32 to vector<16xf32>
      %mul3A_704 = arith.mulf %get3A_27, %mul3A_703 : vector<16xf32>
      %add3A_705 = arith.addf %mul3A_702, %mul3A_704 : vector<16xf32>
      %mul3A_706 = vector.broadcast %squeeze3A_696 : f32 to vector<16xf32>
      %mul3A_707 = arith.mulf %get3A_30, %mul3A_706 : vector<16xf32>
      %add3A_708 = arith.addf %add3A_705, %mul3A_707 : vector<16xf32>
      %mul3A_709 = vector.broadcast %squeeze3A_698 : f32 to vector<16xf32>
      %mul3A_710 = arith.mulf %get3A_33, %mul3A_709 : vector<16xf32>
      %add3A_711 = arith.addf %add3A_708, %mul3A_710 : vector<16xf32>
      %add3A_712 = vector.broadcast %squeeze3A_700 : f32 to vector<16xf32>
      %add3A_713 = arith.addf %mul3A_43, %add3A_712 : vector<16xf32>
      %add3A_714 = arith.addf %add3A_713, %add3A_711 : vector<16xf32>
      %mul3A_715 = vector.broadcast %squeeze3A_692 : f32 to vector<16xf32>
      %mul3A_716 = arith.mulf %get3A_46, %mul3A_715 : vector<16xf32>
      %mul3A_717 = vector.broadcast %squeeze3A_694 : f32 to vector<16xf32>
      %mul3A_718 = arith.mulf %get3A_49, %mul3A_717 : vector<16xf32>
      %add3A_719 = arith.addf %mul3A_716, %mul3A_718 : vector<16xf32>
      %mul3A_720 = vector.broadcast %squeeze3A_696 : f32 to vector<16xf32>
      %mul3A_721 = arith.mulf %get3A_52, %mul3A_720 : vector<16xf32>
      %add3A_722 = arith.addf %add3A_719, %mul3A_721 : vector<16xf32>
      %mul3A_723 = vector.broadcast %squeeze3A_698 : f32 to vector<16xf32>
      %mul3A_724 = arith.mulf %get3A_55, %mul3A_723 : vector<16xf32>
      %add3A_725 = arith.addf %add3A_722, %mul3A_724 : vector<16xf32>
      %add3A_726 = vector.broadcast %squeeze3A_700 : f32 to vector<16xf32>
      %add3A_727 = arith.addf %mul3A_65, %add3A_726 : vector<16xf32>
      %add3A_728 = arith.addf %add3A_727, %add3A_725 : vector<16xf32>
      %mul3A_729 = vector.broadcast %squeeze3A_692 : f32 to vector<16xf32>
      %mul3A_730 = arith.mulf %get3A_68, %mul3A_729 : vector<16xf32>
      %mul3A_731 = vector.broadcast %squeeze3A_694 : f32 to vector<16xf32>
      %mul3A_732 = arith.mulf %get3A_71, %mul3A_731 : vector<16xf32>
      %add3A_733 = arith.addf %mul3A_730, %mul3A_732 : vector<16xf32>
      %mul3A_734 = vector.broadcast %squeeze3A_696 : f32 to vector<16xf32>
      %mul3A_735 = arith.mulf %get3A_74, %mul3A_734 : vector<16xf32>
      %add3A_736 = arith.addf %add3A_733, %mul3A_735 : vector<16xf32>
      %mul3A_737 = vector.broadcast %squeeze3A_698 : f32 to vector<16xf32>
      %mul3A_738 = arith.mulf %get3A_77, %mul3A_737 : vector<16xf32>
      %add3A_739 = arith.addf %add3A_736, %mul3A_738 : vector<16xf32>
      %add3A_740 = vector.broadcast %squeeze3A_700 : f32 to vector<16xf32>
      %add3A_741 = arith.addf %mul3A_87, %add3A_740 : vector<16xf32>
      %add3A_742 = arith.addf %add3A_741, %add3A_739 : vector<16xf32>
      %slice3A_743 = vector.extract_strided_slice %get3A_299 {offsets = [7], sizes = [1], strides = [1]} : vector<16xf32> to vector<1xf32>
      %squeeze3A_744 = vector.extract %slice3A_743[0] : f32 from vector<1xf32>
      %slice3A_745 = vector.extract_strided_slice %get3A_306 {offsets = [7], sizes = [1], strides = [1]} : vector<16xf32> to vector<1xf32>
      %squeeze3A_746 = vector.extract %slice3A_745[0] : f32 from vector<1xf32>
      %slice3A_747 = vector.extract_strided_slice %get3A_313 {offsets = [7], sizes = [1], strides = [1]} : vector<16xf32> to vector<1xf32>
      %squeeze3A_748 = vector.extract %slice3A_747[0] : f32 from vector<1xf32>
      %slice3A_749 = vector.extract_strided_slice %get3A_320 {offsets = [7], sizes = [1], strides = [1]} : vector<16xf32> to vector<1xf32>
      %squeeze3A_750 = vector.extract %slice3A_749[0] : f32 from vector<1xf32>
      %slice3A_751 = vector.extract_strided_slice %get3A_325 {offsets = [7], sizes = [1], strides = [1]} : vector<16xf32> to vector<1xf32>
      %squeeze3A_752 = vector.extract %slice3A_751[0] : f32 from vector<1xf32>
      %mul3A_753 = vector.broadcast %squeeze3A_744 : f32 to vector<16xf32>
      %mul3A_754 = arith.mulf %get3A_24, %mul3A_753 : vector<16xf32>
      %mul3A_755 = vector.broadcast %squeeze3A_746 : f32 to vector<16xf32>
      %mul3A_756 = arith.mulf %get3A_27, %mul3A_755 : vector<16xf32>
      %add3A_757 = arith.addf %mul3A_754, %mul3A_756 : vector<16xf32>
      %mul3A_758 = vector.broadcast %squeeze3A_748 : f32 to vector<16xf32>
      %mul3A_759 = arith.mulf %get3A_30, %mul3A_758 : vector<16xf32>
      %add3A_760 = arith.addf %add3A_757, %mul3A_759 : vector<16xf32>
      %mul3A_761 = vector.broadcast %squeeze3A_750 : f32 to vector<16xf32>
      %mul3A_762 = arith.mulf %get3A_33, %mul3A_761 : vector<16xf32>
      %add3A_763 = arith.addf %add3A_760, %mul3A_762 : vector<16xf32>
      %add3A_764 = vector.broadcast %squeeze3A_752 : f32 to vector<16xf32>
      %add3A_765 = arith.addf %mul3A_43, %add3A_764 : vector<16xf32>
      %add3A_766 = arith.addf %add3A_765, %add3A_763 : vector<16xf32>
      %mul3A_767 = vector.broadcast %squeeze3A_744 : f32 to vector<16xf32>
      %mul3A_768 = arith.mulf %get3A_46, %mul3A_767 : vector<16xf32>
      %mul3A_769 = vector.broadcast %squeeze3A_746 : f32 to vector<16xf32>
      %mul3A_770 = arith.mulf %get3A_49, %mul3A_769 : vector<16xf32>
      %add3A_771 = arith.addf %mul3A_768, %mul3A_770 : vector<16xf32>
      %mul3A_772 = vector.broadcast %squeeze3A_748 : f32 to vector<16xf32>
      %mul3A_773 = arith.mulf %get3A_52, %mul3A_772 : vector<16xf32>
      %add3A_774 = arith.addf %add3A_771, %mul3A_773 : vector<16xf32>
      %mul3A_775 = vector.broadcast %squeeze3A_750 : f32 to vector<16xf32>
      %mul3A_776 = arith.mulf %get3A_55, %mul3A_775 : vector<16xf32>
      %add3A_777 = arith.addf %add3A_774, %mul3A_776 : vector<16xf32>
      %add3A_778 = vector.broadcast %squeeze3A_752 : f32 to vector<16xf32>
      %add3A_779 = arith.addf %mul3A_65, %add3A_778 : vector<16xf32>
      %add3A_780 = arith.addf %add3A_779, %add3A_777 : vector<16xf32>
      %mul3A_781 = vector.broadcast %squeeze3A_744 : f32 to vector<16xf32>
      %mul3A_782 = arith.mulf %get3A_68, %mul3A_781 : vector<16xf32>
      %mul3A_783 = vector.broadcast %squeeze3A_746 : f32 to vector<16xf32>
      %mul3A_784 = arith.mulf %get3A_71, %mul3A_783 : vector<16xf32>
      %add3A_785 = arith.addf %mul3A_782, %mul3A_784 : vector<16xf32>
      %mul3A_786 = vector.broadcast %squeeze3A_748 : f32 to vector<16xf32>
      %mul3A_787 = arith.mulf %get3A_74, %mul3A_786 : vector<16xf32>
      %add3A_788 = arith.addf %add3A_785, %mul3A_787 : vector<16xf32>
      %mul3A_789 = vector.broadcast %squeeze3A_750 : f32 to vector<16xf32>
      %mul3A_790 = arith.mulf %get3A_77, %mul3A_789 : vector<16xf32>
      %add3A_791 = arith.addf %add3A_788, %mul3A_790 : vector<16xf32>
      %add3A_792 = vector.broadcast %squeeze3A_752 : f32 to vector<16xf32>
      %add3A_793 = arith.addf %mul3A_87, %add3A_792 : vector<16xf32>
      %add3A_794 = arith.addf %add3A_793, %add3A_791 : vector<16xf32>
      %max3A_795 = arith.maximumf %max3A_534, %add3A_610 : vector<16xf32>
      %max3A_796 = arith.maximumf %max3A_795, %add3A_662 : vector<16xf32>
      %max3A_797 = arith.maximumf %max3A_796, %add3A_714 : vector<16xf32>
      %max3A_798 = arith.maximumf %max3A_797, %add3A_766 : vector<16xf32>
      %sub3A_799 = arith.subf %add3A_610, %max3A_798 : vector<16xf32>
      %exp3A_800 = math.exp %sub3A_799 : vector<16xf32>
      %sub3A_801 = arith.subf %add3A_662, %max3A_798 : vector<16xf32>
      %exp3A_802 = math.exp %sub3A_801 : vector<16xf32>
      %add3A_803 = arith.addf %exp3A_800, %exp3A_802 : vector<16xf32>
      %sub3A_804 = arith.subf %add3A_714, %max3A_798 : vector<16xf32>
      %exp3A_805 = math.exp %sub3A_804 : vector<16xf32>
      %sub3A_806 = arith.subf %add3A_766, %max3A_798 : vector<16xf32>
      %exp3A_807 = math.exp %sub3A_806 : vector<16xf32>
      %add3A_808 = arith.addf %exp3A_805, %exp3A_807 : vector<16xf32>
      %sub3A_809 = arith.subf %max3A_534, %max3A_798 : vector<16xf32>
      %exp3A_810 = math.exp %sub3A_809 : vector<16xf32>
      %mul3A_811 = arith.mulf %add3A_548, %exp3A_810 : vector<16xf32>
      %add3A_812 = arith.addf %add3A_803, %add3A_808 : vector<16xf32>
      %add3A_813 = arith.addf %mul3A_811, %add3A_812 : vector<16xf32>
      %max3A_814 = arith.maximumf %max3A_552, %add3A_624 : vector<16xf32>
      %max3A_815 = arith.maximumf %max3A_814, %add3A_676 : vector<16xf32>
      %max3A_816 = arith.maximumf %max3A_815, %add3A_728 : vector<16xf32>
      %max3A_817 = arith.maximumf %max3A_816, %add3A_780 : vector<16xf32>
      %sub3A_818 = arith.subf %add3A_624, %max3A_817 : vector<16xf32>
      %exp3A_819 = math.exp %sub3A_818 : vector<16xf32>
      %sub3A_820 = arith.subf %add3A_676, %max3A_817 : vector<16xf32>
      %exp3A_821 = math.exp %sub3A_820 : vector<16xf32>
      %add3A_822 = arith.addf %exp3A_819, %exp3A_821 : vector<16xf32>
      %sub3A_823 = arith.subf %add3A_728, %max3A_817 : vector<16xf32>
      %exp3A_824 = math.exp %sub3A_823 : vector<16xf32>
      %sub3A_825 = arith.subf %add3A_780, %max3A_817 : vector<16xf32>
      %exp3A_826 = math.exp %sub3A_825 : vector<16xf32>
      %add3A_827 = arith.addf %exp3A_824, %exp3A_826 : vector<16xf32>
      %sub3A_828 = arith.subf %max3A_552, %max3A_817 : vector<16xf32>
      %exp3A_829 = math.exp %sub3A_828 : vector<16xf32>
      %mul3A_830 = arith.mulf %add3A_567, %exp3A_829 : vector<16xf32>
      %add3A_831 = arith.addf %add3A_822, %add3A_827 : vector<16xf32>
      %add3A_832 = arith.addf %mul3A_830, %add3A_831 : vector<16xf32>
      %max3A_833 = arith.maximumf %max3A_571, %add3A_638 : vector<16xf32>
      %max3A_834 = arith.maximumf %max3A_833, %add3A_690 : vector<16xf32>
      %max3A_835 = arith.maximumf %max3A_834, %add3A_742 : vector<16xf32>
      %max3A_836 = arith.maximumf %max3A_835, %add3A_794 : vector<16xf32>
      %sub3A_837 = arith.subf %add3A_638, %max3A_836 : vector<16xf32>
      %exp3A_838 = math.exp %sub3A_837 : vector<16xf32>
      %sub3A_839 = arith.subf %add3A_690, %max3A_836 : vector<16xf32>
      %exp3A_840 = math.exp %sub3A_839 : vector<16xf32>
      %add3A_841 = arith.addf %exp3A_838, %exp3A_840 : vector<16xf32>
      %sub3A_842 = arith.subf %add3A_742, %max3A_836 : vector<16xf32>
      %exp3A_843 = math.exp %sub3A_842 : vector<16xf32>
      %sub3A_844 = arith.subf %add3A_794, %max3A_836 : vector<16xf32>
      %exp3A_845 = math.exp %sub3A_844 : vector<16xf32>
      %add3A_846 = arith.addf %exp3A_843, %exp3A_845 : vector<16xf32>
      %sub3A_847 = arith.subf %max3A_571, %max3A_836 : vector<16xf32>
      %exp3A_848 = math.exp %sub3A_847 : vector<16xf32>
      %mul3A_849 = arith.mulf %add3A_586, %exp3A_848 : vector<16xf32>
      %add3A_850 = arith.addf %add3A_841, %add3A_846 : vector<16xf32>
      %add3A_851 = arith.addf %mul3A_849, %add3A_850 : vector<16xf32>
      %slice3A_852 = vector.extract_strided_slice %get3A_299 {offsets = [8], sizes = [1], strides = [1]} : vector<16xf32> to vector<1xf32>
      %squeeze3A_853 = vector.extract %slice3A_852[0] : f32 from vector<1xf32>
      %slice3A_854 = vector.extract_strided_slice %get3A_306 {offsets = [8], sizes = [1], strides = [1]} : vector<16xf32> to vector<1xf32>
      %squeeze3A_855 = vector.extract %slice3A_854[0] : f32 from vector<1xf32>
      %slice3A_856 = vector.extract_strided_slice %get3A_313 {offsets = [8], sizes = [1], strides = [1]} : vector<16xf32> to vector<1xf32>
      %squeeze3A_857 = vector.extract %slice3A_856[0] : f32 from vector<1xf32>
      %slice3A_858 = vector.extract_strided_slice %get3A_320 {offsets = [8], sizes = [1], strides = [1]} : vector<16xf32> to vector<1xf32>
      %squeeze3A_859 = vector.extract %slice3A_858[0] : f32 from vector<1xf32>
      %slice3A_860 = vector.extract_strided_slice %get3A_325 {offsets = [8], sizes = [1], strides = [1]} : vector<16xf32> to vector<1xf32>
      %squeeze3A_861 = vector.extract %slice3A_860[0] : f32 from vector<1xf32>
      %mul3A_862 = vector.broadcast %squeeze3A_853 : f32 to vector<16xf32>
      %mul3A_863 = arith.mulf %get3A_24, %mul3A_862 : vector<16xf32>
      %mul3A_864 = vector.broadcast %squeeze3A_855 : f32 to vector<16xf32>
      %mul3A_865 = arith.mulf %get3A_27, %mul3A_864 : vector<16xf32>
      %add3A_866 = arith.addf %mul3A_863, %mul3A_865 : vector<16xf32>
      %mul3A_867 = vector.broadcast %squeeze3A_857 : f32 to vector<16xf32>
      %mul3A_868 = arith.mulf %get3A_30, %mul3A_867 : vector<16xf32>
      %add3A_869 = arith.addf %add3A_866, %mul3A_868 : vector<16xf32>
      %mul3A_870 = vector.broadcast %squeeze3A_859 : f32 to vector<16xf32>
      %mul3A_871 = arith.mulf %get3A_33, %mul3A_870 : vector<16xf32>
      %add3A_872 = arith.addf %add3A_869, %mul3A_871 : vector<16xf32>
      %add3A_873 = vector.broadcast %squeeze3A_861 : f32 to vector<16xf32>
      %add3A_874 = arith.addf %mul3A_43, %add3A_873 : vector<16xf32>
      %add3A_875 = arith.addf %add3A_874, %add3A_872 : vector<16xf32>
      %mul3A_876 = vector.broadcast %squeeze3A_853 : f32 to vector<16xf32>
      %mul3A_877 = arith.mulf %get3A_46, %mul3A_876 : vector<16xf32>
      %mul3A_878 = vector.broadcast %squeeze3A_855 : f32 to vector<16xf32>
      %mul3A_879 = arith.mulf %get3A_49, %mul3A_878 : vector<16xf32>
      %add3A_880 = arith.addf %mul3A_877, %mul3A_879 : vector<16xf32>
      %mul3A_881 = vector.broadcast %squeeze3A_857 : f32 to vector<16xf32>
      %mul3A_882 = arith.mulf %get3A_52, %mul3A_881 : vector<16xf32>
      %add3A_883 = arith.addf %add3A_880, %mul3A_882 : vector<16xf32>
      %mul3A_884 = vector.broadcast %squeeze3A_859 : f32 to vector<16xf32>
      %mul3A_885 = arith.mulf %get3A_55, %mul3A_884 : vector<16xf32>
      %add3A_886 = arith.addf %add3A_883, %mul3A_885 : vector<16xf32>
      %add3A_887 = vector.broadcast %squeeze3A_861 : f32 to vector<16xf32>
      %add3A_888 = arith.addf %mul3A_65, %add3A_887 : vector<16xf32>
      %add3A_889 = arith.addf %add3A_888, %add3A_886 : vector<16xf32>
      %mul3A_890 = vector.broadcast %squeeze3A_853 : f32 to vector<16xf32>
      %mul3A_891 = arith.mulf %get3A_68, %mul3A_890 : vector<16xf32>
      %mul3A_892 = vector.broadcast %squeeze3A_855 : f32 to vector<16xf32>
      %mul3A_893 = arith.mulf %get3A_71, %mul3A_892 : vector<16xf32>
      %add3A_894 = arith.addf %mul3A_891, %mul3A_893 : vector<16xf32>
      %mul3A_895 = vector.broadcast %squeeze3A_857 : f32 to vector<16xf32>
      %mul3A_896 = arith.mulf %get3A_74, %mul3A_895 : vector<16xf32>
      %add3A_897 = arith.addf %add3A_894, %mul3A_896 : vector<16xf32>
      %mul3A_898 = vector.broadcast %squeeze3A_859 : f32 to vector<16xf32>
      %mul3A_899 = arith.mulf %get3A_77, %mul3A_898 : vector<16xf32>
      %add3A_900 = arith.addf %add3A_897, %mul3A_899 : vector<16xf32>
      %add3A_901 = vector.broadcast %squeeze3A_861 : f32 to vector<16xf32>
      %add3A_902 = arith.addf %mul3A_87, %add3A_901 : vector<16xf32>
      %add3A_903 = arith.addf %add3A_902, %add3A_900 : vector<16xf32>
      %slice3A_904 = vector.extract_strided_slice %get3A_299 {offsets = [9], sizes = [1], strides = [1]} : vector<16xf32> to vector<1xf32>
      %squeeze3A_905 = vector.extract %slice3A_904[0] : f32 from vector<1xf32>
      %slice3A_906 = vector.extract_strided_slice %get3A_306 {offsets = [9], sizes = [1], strides = [1]} : vector<16xf32> to vector<1xf32>
      %squeeze3A_907 = vector.extract %slice3A_906[0] : f32 from vector<1xf32>
      %slice3A_908 = vector.extract_strided_slice %get3A_313 {offsets = [9], sizes = [1], strides = [1]} : vector<16xf32> to vector<1xf32>
      %squeeze3A_909 = vector.extract %slice3A_908[0] : f32 from vector<1xf32>
      %slice3A_910 = vector.extract_strided_slice %get3A_320 {offsets = [9], sizes = [1], strides = [1]} : vector<16xf32> to vector<1xf32>
      %squeeze3A_911 = vector.extract %slice3A_910[0] : f32 from vector<1xf32>
      %slice3A_912 = vector.extract_strided_slice %get3A_325 {offsets = [9], sizes = [1], strides = [1]} : vector<16xf32> to vector<1xf32>
      %squeeze3A_913 = vector.extract %slice3A_912[0] : f32 from vector<1xf32>
      %mul3A_914 = vector.broadcast %squeeze3A_905 : f32 to vector<16xf32>
      %mul3A_915 = arith.mulf %get3A_24, %mul3A_914 : vector<16xf32>
      %mul3A_916 = vector.broadcast %squeeze3A_907 : f32 to vector<16xf32>
      %mul3A_917 = arith.mulf %get3A_27, %mul3A_916 : vector<16xf32>
      %add3A_918 = arith.addf %mul3A_915, %mul3A_917 : vector<16xf32>
      %mul3A_919 = vector.broadcast %squeeze3A_909 : f32 to vector<16xf32>
      %mul3A_920 = arith.mulf %get3A_30, %mul3A_919 : vector<16xf32>
      %add3A_921 = arith.addf %add3A_918, %mul3A_920 : vector<16xf32>
      %mul3A_922 = vector.broadcast %squeeze3A_911 : f32 to vector<16xf32>
      %mul3A_923 = arith.mulf %get3A_33, %mul3A_922 : vector<16xf32>
      %add3A_924 = arith.addf %add3A_921, %mul3A_923 : vector<16xf32>
      %add3A_925 = vector.broadcast %squeeze3A_913 : f32 to vector<16xf32>
      %add3A_926 = arith.addf %mul3A_43, %add3A_925 : vector<16xf32>
      %add3A_927 = arith.addf %add3A_926, %add3A_924 : vector<16xf32>
      %mul3A_928 = vector.broadcast %squeeze3A_905 : f32 to vector<16xf32>
      %mul3A_929 = arith.mulf %get3A_46, %mul3A_928 : vector<16xf32>
      %mul3A_930 = vector.broadcast %squeeze3A_907 : f32 to vector<16xf32>
      %mul3A_931 = arith.mulf %get3A_49, %mul3A_930 : vector<16xf32>
      %add3A_932 = arith.addf %mul3A_929, %mul3A_931 : vector<16xf32>
      %mul3A_933 = vector.broadcast %squeeze3A_909 : f32 to vector<16xf32>
      %mul3A_934 = arith.mulf %get3A_52, %mul3A_933 : vector<16xf32>
      %add3A_935 = arith.addf %add3A_932, %mul3A_934 : vector<16xf32>
      %mul3A_936 = vector.broadcast %squeeze3A_911 : f32 to vector<16xf32>
      %mul3A_937 = arith.mulf %get3A_55, %mul3A_936 : vector<16xf32>
      %add3A_938 = arith.addf %add3A_935, %mul3A_937 : vector<16xf32>
      %add3A_939 = vector.broadcast %squeeze3A_913 : f32 to vector<16xf32>
      %add3A_940 = arith.addf %mul3A_65, %add3A_939 : vector<16xf32>
      %add3A_941 = arith.addf %add3A_940, %add3A_938 : vector<16xf32>
      %mul3A_942 = vector.broadcast %squeeze3A_905 : f32 to vector<16xf32>
      %mul3A_943 = arith.mulf %get3A_68, %mul3A_942 : vector<16xf32>
      %mul3A_944 = vector.broadcast %squeeze3A_907 : f32 to vector<16xf32>
      %mul3A_945 = arith.mulf %get3A_71, %mul3A_944 : vector<16xf32>
      %add3A_946 = arith.addf %mul3A_943, %mul3A_945 : vector<16xf32>
      %mul3A_947 = vector.broadcast %squeeze3A_909 : f32 to vector<16xf32>
      %mul3A_948 = arith.mulf %get3A_74, %mul3A_947 : vector<16xf32>
      %add3A_949 = arith.addf %add3A_946, %mul3A_948 : vector<16xf32>
      %mul3A_950 = vector.broadcast %squeeze3A_911 : f32 to vector<16xf32>
      %mul3A_951 = arith.mulf %get3A_77, %mul3A_950 : vector<16xf32>
      %add3A_952 = arith.addf %add3A_949, %mul3A_951 : vector<16xf32>
      %add3A_953 = vector.broadcast %squeeze3A_913 : f32 to vector<16xf32>
      %add3A_954 = arith.addf %mul3A_87, %add3A_953 : vector<16xf32>
      %add3A_955 = arith.addf %add3A_954, %add3A_952 : vector<16xf32>
      %slice3A_956 = vector.extract_strided_slice %get3A_299 {offsets = [10], sizes = [1], strides = [1]} : vector<16xf32> to vector<1xf32>
      %squeeze3A_957 = vector.extract %slice3A_956[0] : f32 from vector<1xf32>
      %slice3A_958 = vector.extract_strided_slice %get3A_306 {offsets = [10], sizes = [1], strides = [1]} : vector<16xf32> to vector<1xf32>
      %squeeze3A_959 = vector.extract %slice3A_958[0] : f32 from vector<1xf32>
      %slice3A_960 = vector.extract_strided_slice %get3A_313 {offsets = [10], sizes = [1], strides = [1]} : vector<16xf32> to vector<1xf32>
      %squeeze3A_961 = vector.extract %slice3A_960[0] : f32 from vector<1xf32>
      %slice3A_962 = vector.extract_strided_slice %get3A_320 {offsets = [10], sizes = [1], strides = [1]} : vector<16xf32> to vector<1xf32>
      %squeeze3A_963 = vector.extract %slice3A_962[0] : f32 from vector<1xf32>
      %slice3A_964 = vector.extract_strided_slice %get3A_325 {offsets = [10], sizes = [1], strides = [1]} : vector<16xf32> to vector<1xf32>
      %squeeze3A_965 = vector.extract %slice3A_964[0] : f32 from vector<1xf32>
      %mul3A_966 = vector.broadcast %squeeze3A_957 : f32 to vector<16xf32>
      %mul3A_967 = arith.mulf %get3A_24, %mul3A_966 : vector<16xf32>
      %mul3A_968 = vector.broadcast %squeeze3A_959 : f32 to vector<16xf32>
      %mul3A_969 = arith.mulf %get3A_27, %mul3A_968 : vector<16xf32>
      %add3A_970 = arith.addf %mul3A_967, %mul3A_969 : vector<16xf32>
      %mul3A_971 = vector.broadcast %squeeze3A_961 : f32 to vector<16xf32>
      %mul3A_972 = arith.mulf %get3A_30, %mul3A_971 : vector<16xf32>
      %add3A_973 = arith.addf %add3A_970, %mul3A_972 : vector<16xf32>
      %mul3A_974 = vector.broadcast %squeeze3A_963 : f32 to vector<16xf32>
      %mul3A_975 = arith.mulf %get3A_33, %mul3A_974 : vector<16xf32>
      %add3A_976 = arith.addf %add3A_973, %mul3A_975 : vector<16xf32>
      %add3A_977 = vector.broadcast %squeeze3A_965 : f32 to vector<16xf32>
      %add3A_978 = arith.addf %mul3A_43, %add3A_977 : vector<16xf32>
      %add3A_979 = arith.addf %add3A_978, %add3A_976 : vector<16xf32>
      %mul3A_980 = vector.broadcast %squeeze3A_957 : f32 to vector<16xf32>
      %mul3A_981 = arith.mulf %get3A_46, %mul3A_980 : vector<16xf32>
      %mul3A_982 = vector.broadcast %squeeze3A_959 : f32 to vector<16xf32>
      %mul3A_983 = arith.mulf %get3A_49, %mul3A_982 : vector<16xf32>
      %add3A_984 = arith.addf %mul3A_981, %mul3A_983 : vector<16xf32>
      %mul3A_985 = vector.broadcast %squeeze3A_961 : f32 to vector<16xf32>
      %mul3A_986 = arith.mulf %get3A_52, %mul3A_985 : vector<16xf32>
      %add3A_987 = arith.addf %add3A_984, %mul3A_986 : vector<16xf32>
      %mul3A_988 = vector.broadcast %squeeze3A_963 : f32 to vector<16xf32>
      %mul3A_989 = arith.mulf %get3A_55, %mul3A_988 : vector<16xf32>
      %add3A_990 = arith.addf %add3A_987, %mul3A_989 : vector<16xf32>
      %add3A_991 = vector.broadcast %squeeze3A_965 : f32 to vector<16xf32>
      %add3A_992 = arith.addf %mul3A_65, %add3A_991 : vector<16xf32>
      %add3A_993 = arith.addf %add3A_992, %add3A_990 : vector<16xf32>
      %mul3A_994 = vector.broadcast %squeeze3A_957 : f32 to vector<16xf32>
      %mul3A_995 = arith.mulf %get3A_68, %mul3A_994 : vector<16xf32>
      %mul3A_996 = vector.broadcast %squeeze3A_959 : f32 to vector<16xf32>
      %mul3A_997 = arith.mulf %get3A_71, %mul3A_996 : vector<16xf32>
      %add3A_998 = arith.addf %mul3A_995, %mul3A_997 : vector<16xf32>
      %mul3A_999 = vector.broadcast %squeeze3A_961 : f32 to vector<16xf32>
      %mul3A_1000 = arith.mulf %get3A_74, %mul3A_999 : vector<16xf32>
      %add3A_1001 = arith.addf %add3A_998, %mul3A_1000 : vector<16xf32>
      %mul3A_1002 = vector.broadcast %squeeze3A_963 : f32 to vector<16xf32>
      %mul3A_1003 = arith.mulf %get3A_77, %mul3A_1002 : vector<16xf32>
      %add3A_1004 = arith.addf %add3A_1001, %mul3A_1003 : vector<16xf32>
      %add3A_1005 = vector.broadcast %squeeze3A_965 : f32 to vector<16xf32>
      %add3A_1006 = arith.addf %mul3A_87, %add3A_1005 : vector<16xf32>
      %add3A_1007 = arith.addf %add3A_1006, %add3A_1004 : vector<16xf32>
      %slice3A_1008 = vector.extract_strided_slice %get3A_299 {offsets = [11], sizes = [1], strides = [1]} : vector<16xf32> to vector<1xf32>
      %squeeze3A_1009 = vector.extract %slice3A_1008[0] : f32 from vector<1xf32>
      %slice3A_1010 = vector.extract_strided_slice %get3A_306 {offsets = [11], sizes = [1], strides = [1]} : vector<16xf32> to vector<1xf32>
      %squeeze3A_1011 = vector.extract %slice3A_1010[0] : f32 from vector<1xf32>
      %slice3A_1012 = vector.extract_strided_slice %get3A_313 {offsets = [11], sizes = [1], strides = [1]} : vector<16xf32> to vector<1xf32>
      %squeeze3A_1013 = vector.extract %slice3A_1012[0] : f32 from vector<1xf32>
      %slice3A_1014 = vector.extract_strided_slice %get3A_320 {offsets = [11], sizes = [1], strides = [1]} : vector<16xf32> to vector<1xf32>
      %squeeze3A_1015 = vector.extract %slice3A_1014[0] : f32 from vector<1xf32>
      %slice3A_1016 = vector.extract_strided_slice %get3A_325 {offsets = [11], sizes = [1], strides = [1]} : vector<16xf32> to vector<1xf32>
      %squeeze3A_1017 = vector.extract %slice3A_1016[0] : f32 from vector<1xf32>
      %mul3A_1018 = vector.broadcast %squeeze3A_1009 : f32 to vector<16xf32>
      %mul3A_1019 = arith.mulf %get3A_24, %mul3A_1018 : vector<16xf32>
      %mul3A_1020 = vector.broadcast %squeeze3A_1011 : f32 to vector<16xf32>
      %mul3A_1021 = arith.mulf %get3A_27, %mul3A_1020 : vector<16xf32>
      %add3A_1022 = arith.addf %mul3A_1019, %mul3A_1021 : vector<16xf32>
      %mul3A_1023 = vector.broadcast %squeeze3A_1013 : f32 to vector<16xf32>
      %mul3A_1024 = arith.mulf %get3A_30, %mul3A_1023 : vector<16xf32>
      %add3A_1025 = arith.addf %add3A_1022, %mul3A_1024 : vector<16xf32>
      %mul3A_1026 = vector.broadcast %squeeze3A_1015 : f32 to vector<16xf32>
      %mul3A_1027 = arith.mulf %get3A_33, %mul3A_1026 : vector<16xf32>
      %add3A_1028 = arith.addf %add3A_1025, %mul3A_1027 : vector<16xf32>
      %add3A_1029 = vector.broadcast %squeeze3A_1017 : f32 to vector<16xf32>
      %add3A_1030 = arith.addf %mul3A_43, %add3A_1029 : vector<16xf32>
      %add3A_1031 = arith.addf %add3A_1030, %add3A_1028 : vector<16xf32>
      %mul3A_1032 = vector.broadcast %squeeze3A_1009 : f32 to vector<16xf32>
      %mul3A_1033 = arith.mulf %get3A_46, %mul3A_1032 : vector<16xf32>
      %mul3A_1034 = vector.broadcast %squeeze3A_1011 : f32 to vector<16xf32>
      %mul3A_1035 = arith.mulf %get3A_49, %mul3A_1034 : vector<16xf32>
      %add3A_1036 = arith.addf %mul3A_1033, %mul3A_1035 : vector<16xf32>
      %mul3A_1037 = vector.broadcast %squeeze3A_1013 : f32 to vector<16xf32>
      %mul3A_1038 = arith.mulf %get3A_52, %mul3A_1037 : vector<16xf32>
      %add3A_1039 = arith.addf %add3A_1036, %mul3A_1038 : vector<16xf32>
      %mul3A_1040 = vector.broadcast %squeeze3A_1015 : f32 to vector<16xf32>
      %mul3A_1041 = arith.mulf %get3A_55, %mul3A_1040 : vector<16xf32>
      %add3A_1042 = arith.addf %add3A_1039, %mul3A_1041 : vector<16xf32>
      %add3A_1043 = vector.broadcast %squeeze3A_1017 : f32 to vector<16xf32>
      %add3A_1044 = arith.addf %mul3A_65, %add3A_1043 : vector<16xf32>
      %add3A_1045 = arith.addf %add3A_1044, %add3A_1042 : vector<16xf32>
      %mul3A_1046 = vector.broadcast %squeeze3A_1009 : f32 to vector<16xf32>
      %mul3A_1047 = arith.mulf %get3A_68, %mul3A_1046 : vector<16xf32>
      %mul3A_1048 = vector.broadcast %squeeze3A_1011 : f32 to vector<16xf32>
      %mul3A_1049 = arith.mulf %get3A_71, %mul3A_1048 : vector<16xf32>
      %add3A_1050 = arith.addf %mul3A_1047, %mul3A_1049 : vector<16xf32>
      %mul3A_1051 = vector.broadcast %squeeze3A_1013 : f32 to vector<16xf32>
      %mul3A_1052 = arith.mulf %get3A_74, %mul3A_1051 : vector<16xf32>
      %add3A_1053 = arith.addf %add3A_1050, %mul3A_1052 : vector<16xf32>
      %mul3A_1054 = vector.broadcast %squeeze3A_1015 : f32 to vector<16xf32>
      %mul3A_1055 = arith.mulf %get3A_77, %mul3A_1054 : vector<16xf32>
      %add3A_1056 = arith.addf %add3A_1053, %mul3A_1055 : vector<16xf32>
      %add3A_1057 = vector.broadcast %squeeze3A_1017 : f32 to vector<16xf32>
      %add3A_1058 = arith.addf %mul3A_87, %add3A_1057 : vector<16xf32>
      %add3A_1059 = arith.addf %add3A_1058, %add3A_1056 : vector<16xf32>
      %max3A_1060 = arith.maximumf %max3A_798, %add3A_875 : vector<16xf32>
      %max3A_1061 = arith.maximumf %max3A_1060, %add3A_927 : vector<16xf32>
      %max3A_1062 = arith.maximumf %max3A_1061, %add3A_979 : vector<16xf32>
      %max3A_1063 = arith.maximumf %max3A_1062, %add3A_1031 : vector<16xf32>
      %sub3A_1064 = arith.subf %add3A_875, %max3A_1063 : vector<16xf32>
      %exp3A_1065 = math.exp %sub3A_1064 : vector<16xf32>
      %sub3A_1066 = arith.subf %add3A_927, %max3A_1063 : vector<16xf32>
      %exp3A_1067 = math.exp %sub3A_1066 : vector<16xf32>
      %add3A_1068 = arith.addf %exp3A_1065, %exp3A_1067 : vector<16xf32>
      %sub3A_1069 = arith.subf %add3A_979, %max3A_1063 : vector<16xf32>
      %exp3A_1070 = math.exp %sub3A_1069 : vector<16xf32>
      %sub3A_1071 = arith.subf %add3A_1031, %max3A_1063 : vector<16xf32>
      %exp3A_1072 = math.exp %sub3A_1071 : vector<16xf32>
      %add3A_1073 = arith.addf %exp3A_1070, %exp3A_1072 : vector<16xf32>
      %sub3A_1074 = arith.subf %max3A_798, %max3A_1063 : vector<16xf32>
      %exp3A_1075 = math.exp %sub3A_1074 : vector<16xf32>
      %mul3A_1076 = arith.mulf %add3A_813, %exp3A_1075 : vector<16xf32>
      %add3A_1077 = arith.addf %add3A_1068, %add3A_1073 : vector<16xf32>
      %add3A_1078 = arith.addf %mul3A_1076, %add3A_1077 : vector<16xf32>
      %max3A_1079 = arith.maximumf %max3A_817, %add3A_889 : vector<16xf32>
      %max3A_1080 = arith.maximumf %max3A_1079, %add3A_941 : vector<16xf32>
      %max3A_1081 = arith.maximumf %max3A_1080, %add3A_993 : vector<16xf32>
      %max3A_1082 = arith.maximumf %max3A_1081, %add3A_1045 : vector<16xf32>
      %sub3A_1083 = arith.subf %add3A_889, %max3A_1082 : vector<16xf32>
      %exp3A_1084 = math.exp %sub3A_1083 : vector<16xf32>
      %sub3A_1085 = arith.subf %add3A_941, %max3A_1082 : vector<16xf32>
      %exp3A_1086 = math.exp %sub3A_1085 : vector<16xf32>
      %add3A_1087 = arith.addf %exp3A_1084, %exp3A_1086 : vector<16xf32>
      %sub3A_1088 = arith.subf %add3A_993, %max3A_1082 : vector<16xf32>
      %exp3A_1089 = math.exp %sub3A_1088 : vector<16xf32>
      %sub3A_1090 = arith.subf %add3A_1045, %max3A_1082 : vector<16xf32>
      %exp3A_1091 = math.exp %sub3A_1090 : vector<16xf32>
      %add3A_1092 = arith.addf %exp3A_1089, %exp3A_1091 : vector<16xf32>
      %sub3A_1093 = arith.subf %max3A_817, %max3A_1082 : vector<16xf32>
      %exp3A_1094 = math.exp %sub3A_1093 : vector<16xf32>
      %mul3A_1095 = arith.mulf %add3A_832, %exp3A_1094 : vector<16xf32>
      %add3A_1096 = arith.addf %add3A_1087, %add3A_1092 : vector<16xf32>
      %add3A_1097 = arith.addf %mul3A_1095, %add3A_1096 : vector<16xf32>
      %max3A_1098 = arith.maximumf %max3A_836, %add3A_903 : vector<16xf32>
      %max3A_1099 = arith.maximumf %max3A_1098, %add3A_955 : vector<16xf32>
      %max3A_1100 = arith.maximumf %max3A_1099, %add3A_1007 : vector<16xf32>
      %max3A_1101 = arith.maximumf %max3A_1100, %add3A_1059 : vector<16xf32>
      %sub3A_1102 = arith.subf %add3A_903, %max3A_1101 : vector<16xf32>
      %exp3A_1103 = math.exp %sub3A_1102 : vector<16xf32>
      %sub3A_1104 = arith.subf %add3A_955, %max3A_1101 : vector<16xf32>
      %exp3A_1105 = math.exp %sub3A_1104 : vector<16xf32>
      %add3A_1106 = arith.addf %exp3A_1103, %exp3A_1105 : vector<16xf32>
      %sub3A_1107 = arith.subf %add3A_1007, %max3A_1101 : vector<16xf32>
      %exp3A_1108 = math.exp %sub3A_1107 : vector<16xf32>
      %sub3A_1109 = arith.subf %add3A_1059, %max3A_1101 : vector<16xf32>
      %exp3A_1110 = math.exp %sub3A_1109 : vector<16xf32>
      %add3A_1111 = arith.addf %exp3A_1108, %exp3A_1110 : vector<16xf32>
      %sub3A_1112 = arith.subf %max3A_836, %max3A_1101 : vector<16xf32>
      %exp3A_1113 = math.exp %sub3A_1112 : vector<16xf32>
      %mul3A_1114 = arith.mulf %add3A_851, %exp3A_1113 : vector<16xf32>
      %add3A_1115 = arith.addf %add3A_1106, %add3A_1111 : vector<16xf32>
      %add3A_1116 = arith.addf %mul3A_1114, %add3A_1115 : vector<16xf32>
      %slice3A_1117 = vector.extract_strided_slice %get3A_299 {offsets = [12], sizes = [1], strides = [1]} : vector<16xf32> to vector<1xf32>
      %squeeze3A_1118 = vector.extract %slice3A_1117[0] : f32 from vector<1xf32>
      %slice3A_1119 = vector.extract_strided_slice %get3A_306 {offsets = [12], sizes = [1], strides = [1]} : vector<16xf32> to vector<1xf32>
      %squeeze3A_1120 = vector.extract %slice3A_1119[0] : f32 from vector<1xf32>
      %slice3A_1121 = vector.extract_strided_slice %get3A_313 {offsets = [12], sizes = [1], strides = [1]} : vector<16xf32> to vector<1xf32>
      %squeeze3A_1122 = vector.extract %slice3A_1121[0] : f32 from vector<1xf32>
      %slice3A_1123 = vector.extract_strided_slice %get3A_320 {offsets = [12], sizes = [1], strides = [1]} : vector<16xf32> to vector<1xf32>
      %squeeze3A_1124 = vector.extract %slice3A_1123[0] : f32 from vector<1xf32>
      %slice3A_1125 = vector.extract_strided_slice %get3A_325 {offsets = [12], sizes = [1], strides = [1]} : vector<16xf32> to vector<1xf32>
      %squeeze3A_1126 = vector.extract %slice3A_1125[0] : f32 from vector<1xf32>
      %mul3A_1127 = vector.broadcast %squeeze3A_1118 : f32 to vector<16xf32>
      %mul3A_1128 = arith.mulf %get3A_24, %mul3A_1127 : vector<16xf32>
      %mul3A_1129 = vector.broadcast %squeeze3A_1120 : f32 to vector<16xf32>
      %mul3A_1130 = arith.mulf %get3A_27, %mul3A_1129 : vector<16xf32>
      %add3A_1131 = arith.addf %mul3A_1128, %mul3A_1130 : vector<16xf32>
      %mul3A_1132 = vector.broadcast %squeeze3A_1122 : f32 to vector<16xf32>
      %mul3A_1133 = arith.mulf %get3A_30, %mul3A_1132 : vector<16xf32>
      %add3A_1134 = arith.addf %add3A_1131, %mul3A_1133 : vector<16xf32>
      %mul3A_1135 = vector.broadcast %squeeze3A_1124 : f32 to vector<16xf32>
      %mul3A_1136 = arith.mulf %get3A_33, %mul3A_1135 : vector<16xf32>
      %add3A_1137 = arith.addf %add3A_1134, %mul3A_1136 : vector<16xf32>
      %add3A_1138 = vector.broadcast %squeeze3A_1126 : f32 to vector<16xf32>
      %add3A_1139 = arith.addf %mul3A_43, %add3A_1138 : vector<16xf32>
      %add3A_1140 = arith.addf %add3A_1139, %add3A_1137 : vector<16xf32>
      %mul3A_1141 = vector.broadcast %squeeze3A_1118 : f32 to vector<16xf32>
      %mul3A_1142 = arith.mulf %get3A_46, %mul3A_1141 : vector<16xf32>
      %mul3A_1143 = vector.broadcast %squeeze3A_1120 : f32 to vector<16xf32>
      %mul3A_1144 = arith.mulf %get3A_49, %mul3A_1143 : vector<16xf32>
      %add3A_1145 = arith.addf %mul3A_1142, %mul3A_1144 : vector<16xf32>
      %mul3A_1146 = vector.broadcast %squeeze3A_1122 : f32 to vector<16xf32>
      %mul3A_1147 = arith.mulf %get3A_52, %mul3A_1146 : vector<16xf32>
      %add3A_1148 = arith.addf %add3A_1145, %mul3A_1147 : vector<16xf32>
      %mul3A_1149 = vector.broadcast %squeeze3A_1124 : f32 to vector<16xf32>
      %mul3A_1150 = arith.mulf %get3A_55, %mul3A_1149 : vector<16xf32>
      %add3A_1151 = arith.addf %add3A_1148, %mul3A_1150 : vector<16xf32>
      %add3A_1152 = vector.broadcast %squeeze3A_1126 : f32 to vector<16xf32>
      %add3A_1153 = arith.addf %mul3A_65, %add3A_1152 : vector<16xf32>
      %add3A_1154 = arith.addf %add3A_1153, %add3A_1151 : vector<16xf32>
      %mul3A_1155 = vector.broadcast %squeeze3A_1118 : f32 to vector<16xf32>
      %mul3A_1156 = arith.mulf %get3A_68, %mul3A_1155 : vector<16xf32>
      %mul3A_1157 = vector.broadcast %squeeze3A_1120 : f32 to vector<16xf32>
      %mul3A_1158 = arith.mulf %get3A_71, %mul3A_1157 : vector<16xf32>
      %add3A_1159 = arith.addf %mul3A_1156, %mul3A_1158 : vector<16xf32>
      %mul3A_1160 = vector.broadcast %squeeze3A_1122 : f32 to vector<16xf32>
      %mul3A_1161 = arith.mulf %get3A_74, %mul3A_1160 : vector<16xf32>
      %add3A_1162 = arith.addf %add3A_1159, %mul3A_1161 : vector<16xf32>
      %mul3A_1163 = vector.broadcast %squeeze3A_1124 : f32 to vector<16xf32>
      %mul3A_1164 = arith.mulf %get3A_77, %mul3A_1163 : vector<16xf32>
      %add3A_1165 = arith.addf %add3A_1162, %mul3A_1164 : vector<16xf32>
      %add3A_1166 = vector.broadcast %squeeze3A_1126 : f32 to vector<16xf32>
      %add3A_1167 = arith.addf %mul3A_87, %add3A_1166 : vector<16xf32>
      %add3A_1168 = arith.addf %add3A_1167, %add3A_1165 : vector<16xf32>
      %slice3A_1169 = vector.extract_strided_slice %get3A_299 {offsets = [13], sizes = [1], strides = [1]} : vector<16xf32> to vector<1xf32>
      %squeeze3A_1170 = vector.extract %slice3A_1169[0] : f32 from vector<1xf32>
      %slice3A_1171 = vector.extract_strided_slice %get3A_306 {offsets = [13], sizes = [1], strides = [1]} : vector<16xf32> to vector<1xf32>
      %squeeze3A_1172 = vector.extract %slice3A_1171[0] : f32 from vector<1xf32>
      %slice3A_1173 = vector.extract_strided_slice %get3A_313 {offsets = [13], sizes = [1], strides = [1]} : vector<16xf32> to vector<1xf32>
      %squeeze3A_1174 = vector.extract %slice3A_1173[0] : f32 from vector<1xf32>
      %slice3A_1175 = vector.extract_strided_slice %get3A_320 {offsets = [13], sizes = [1], strides = [1]} : vector<16xf32> to vector<1xf32>
      %squeeze3A_1176 = vector.extract %slice3A_1175[0] : f32 from vector<1xf32>
      %slice3A_1177 = vector.extract_strided_slice %get3A_325 {offsets = [13], sizes = [1], strides = [1]} : vector<16xf32> to vector<1xf32>
      %squeeze3A_1178 = vector.extract %slice3A_1177[0] : f32 from vector<1xf32>
      %mul3A_1179 = vector.broadcast %squeeze3A_1170 : f32 to vector<16xf32>
      %mul3A_1180 = arith.mulf %get3A_24, %mul3A_1179 : vector<16xf32>
      %mul3A_1181 = vector.broadcast %squeeze3A_1172 : f32 to vector<16xf32>
      %mul3A_1182 = arith.mulf %get3A_27, %mul3A_1181 : vector<16xf32>
      %add3A_1183 = arith.addf %mul3A_1180, %mul3A_1182 : vector<16xf32>
      %mul3A_1184 = vector.broadcast %squeeze3A_1174 : f32 to vector<16xf32>
      %mul3A_1185 = arith.mulf %get3A_30, %mul3A_1184 : vector<16xf32>
      %add3A_1186 = arith.addf %add3A_1183, %mul3A_1185 : vector<16xf32>
      %mul3A_1187 = vector.broadcast %squeeze3A_1176 : f32 to vector<16xf32>
      %mul3A_1188 = arith.mulf %get3A_33, %mul3A_1187 : vector<16xf32>
      %add3A_1189 = arith.addf %add3A_1186, %mul3A_1188 : vector<16xf32>
      %add3A_1190 = vector.broadcast %squeeze3A_1178 : f32 to vector<16xf32>
      %add3A_1191 = arith.addf %mul3A_43, %add3A_1190 : vector<16xf32>
      %add3A_1192 = arith.addf %add3A_1191, %add3A_1189 : vector<16xf32>
      %mul3A_1193 = vector.broadcast %squeeze3A_1170 : f32 to vector<16xf32>
      %mul3A_1194 = arith.mulf %get3A_46, %mul3A_1193 : vector<16xf32>
      %mul3A_1195 = vector.broadcast %squeeze3A_1172 : f32 to vector<16xf32>
      %mul3A_1196 = arith.mulf %get3A_49, %mul3A_1195 : vector<16xf32>
      %add3A_1197 = arith.addf %mul3A_1194, %mul3A_1196 : vector<16xf32>
      %mul3A_1198 = vector.broadcast %squeeze3A_1174 : f32 to vector<16xf32>
      %mul3A_1199 = arith.mulf %get3A_52, %mul3A_1198 : vector<16xf32>
      %add3A_1200 = arith.addf %add3A_1197, %mul3A_1199 : vector<16xf32>
      %mul3A_1201 = vector.broadcast %squeeze3A_1176 : f32 to vector<16xf32>
      %mul3A_1202 = arith.mulf %get3A_55, %mul3A_1201 : vector<16xf32>
      %add3A_1203 = arith.addf %add3A_1200, %mul3A_1202 : vector<16xf32>
      %add3A_1204 = vector.broadcast %squeeze3A_1178 : f32 to vector<16xf32>
      %add3A_1205 = arith.addf %mul3A_65, %add3A_1204 : vector<16xf32>
      %add3A_1206 = arith.addf %add3A_1205, %add3A_1203 : vector<16xf32>
      %mul3A_1207 = vector.broadcast %squeeze3A_1170 : f32 to vector<16xf32>
      %mul3A_1208 = arith.mulf %get3A_68, %mul3A_1207 : vector<16xf32>
      %mul3A_1209 = vector.broadcast %squeeze3A_1172 : f32 to vector<16xf32>
      %mul3A_1210 = arith.mulf %get3A_71, %mul3A_1209 : vector<16xf32>
      %add3A_1211 = arith.addf %mul3A_1208, %mul3A_1210 : vector<16xf32>
      %mul3A_1212 = vector.broadcast %squeeze3A_1174 : f32 to vector<16xf32>
      %mul3A_1213 = arith.mulf %get3A_74, %mul3A_1212 : vector<16xf32>
      %add3A_1214 = arith.addf %add3A_1211, %mul3A_1213 : vector<16xf32>
      %mul3A_1215 = vector.broadcast %squeeze3A_1176 : f32 to vector<16xf32>
      %mul3A_1216 = arith.mulf %get3A_77, %mul3A_1215 : vector<16xf32>
      %add3A_1217 = arith.addf %add3A_1214, %mul3A_1216 : vector<16xf32>
      %add3A_1218 = vector.broadcast %squeeze3A_1178 : f32 to vector<16xf32>
      %add3A_1219 = arith.addf %mul3A_87, %add3A_1218 : vector<16xf32>
      %add3A_1220 = arith.addf %add3A_1219, %add3A_1217 : vector<16xf32>
      %slice3A_1221 = vector.extract_strided_slice %get3A_299 {offsets = [14], sizes = [1], strides = [1]} : vector<16xf32> to vector<1xf32>
      %squeeze3A_1222 = vector.extract %slice3A_1221[0] : f32 from vector<1xf32>
      %slice3A_1223 = vector.extract_strided_slice %get3A_306 {offsets = [14], sizes = [1], strides = [1]} : vector<16xf32> to vector<1xf32>
      %squeeze3A_1224 = vector.extract %slice3A_1223[0] : f32 from vector<1xf32>
      %slice3A_1225 = vector.extract_strided_slice %get3A_313 {offsets = [14], sizes = [1], strides = [1]} : vector<16xf32> to vector<1xf32>
      %squeeze3A_1226 = vector.extract %slice3A_1225[0] : f32 from vector<1xf32>
      %slice3A_1227 = vector.extract_strided_slice %get3A_320 {offsets = [14], sizes = [1], strides = [1]} : vector<16xf32> to vector<1xf32>
      %squeeze3A_1228 = vector.extract %slice3A_1227[0] : f32 from vector<1xf32>
      %slice3A_1229 = vector.extract_strided_slice %get3A_325 {offsets = [14], sizes = [1], strides = [1]} : vector<16xf32> to vector<1xf32>
      %squeeze3A_1230 = vector.extract %slice3A_1229[0] : f32 from vector<1xf32>
      %mul3A_1231 = vector.broadcast %squeeze3A_1222 : f32 to vector<16xf32>
      %mul3A_1232 = arith.mulf %get3A_24, %mul3A_1231 : vector<16xf32>
      %mul3A_1233 = vector.broadcast %squeeze3A_1224 : f32 to vector<16xf32>
      %mul3A_1234 = arith.mulf %get3A_27, %mul3A_1233 : vector<16xf32>
      %add3A_1235 = arith.addf %mul3A_1232, %mul3A_1234 : vector<16xf32>
      %mul3A_1236 = vector.broadcast %squeeze3A_1226 : f32 to vector<16xf32>
      %mul3A_1237 = arith.mulf %get3A_30, %mul3A_1236 : vector<16xf32>
      %add3A_1238 = arith.addf %add3A_1235, %mul3A_1237 : vector<16xf32>
      %mul3A_1239 = vector.broadcast %squeeze3A_1228 : f32 to vector<16xf32>
      %mul3A_1240 = arith.mulf %get3A_33, %mul3A_1239 : vector<16xf32>
      %add3A_1241 = arith.addf %add3A_1238, %mul3A_1240 : vector<16xf32>
      %add3A_1242 = vector.broadcast %squeeze3A_1230 : f32 to vector<16xf32>
      %add3A_1243 = arith.addf %mul3A_43, %add3A_1242 : vector<16xf32>
      %add3A_1244 = arith.addf %add3A_1243, %add3A_1241 : vector<16xf32>
      %mul3A_1245 = vector.broadcast %squeeze3A_1222 : f32 to vector<16xf32>
      %mul3A_1246 = arith.mulf %get3A_46, %mul3A_1245 : vector<16xf32>
      %mul3A_1247 = vector.broadcast %squeeze3A_1224 : f32 to vector<16xf32>
      %mul3A_1248 = arith.mulf %get3A_49, %mul3A_1247 : vector<16xf32>
      %add3A_1249 = arith.addf %mul3A_1246, %mul3A_1248 : vector<16xf32>
      %mul3A_1250 = vector.broadcast %squeeze3A_1226 : f32 to vector<16xf32>
      %mul3A_1251 = arith.mulf %get3A_52, %mul3A_1250 : vector<16xf32>
      %add3A_1252 = arith.addf %add3A_1249, %mul3A_1251 : vector<16xf32>
      %mul3A_1253 = vector.broadcast %squeeze3A_1228 : f32 to vector<16xf32>
      %mul3A_1254 = arith.mulf %get3A_55, %mul3A_1253 : vector<16xf32>
      %add3A_1255 = arith.addf %add3A_1252, %mul3A_1254 : vector<16xf32>
      %add3A_1256 = vector.broadcast %squeeze3A_1230 : f32 to vector<16xf32>
      %add3A_1257 = arith.addf %mul3A_65, %add3A_1256 : vector<16xf32>
      %add3A_1258 = arith.addf %add3A_1257, %add3A_1255 : vector<16xf32>
      %mul3A_1259 = vector.broadcast %squeeze3A_1222 : f32 to vector<16xf32>
      %mul3A_1260 = arith.mulf %get3A_68, %mul3A_1259 : vector<16xf32>
      %mul3A_1261 = vector.broadcast %squeeze3A_1224 : f32 to vector<16xf32>
      %mul3A_1262 = arith.mulf %get3A_71, %mul3A_1261 : vector<16xf32>
      %add3A_1263 = arith.addf %mul3A_1260, %mul3A_1262 : vector<16xf32>
      %mul3A_1264 = vector.broadcast %squeeze3A_1226 : f32 to vector<16xf32>
      %mul3A_1265 = arith.mulf %get3A_74, %mul3A_1264 : vector<16xf32>
      %add3A_1266 = arith.addf %add3A_1263, %mul3A_1265 : vector<16xf32>
      %mul3A_1267 = vector.broadcast %squeeze3A_1228 : f32 to vector<16xf32>
      %mul3A_1268 = arith.mulf %get3A_77, %mul3A_1267 : vector<16xf32>
      %add3A_1269 = arith.addf %add3A_1266, %mul3A_1268 : vector<16xf32>
      %add3A_1270 = vector.broadcast %squeeze3A_1230 : f32 to vector<16xf32>
      %add3A_1271 = arith.addf %mul3A_87, %add3A_1270 : vector<16xf32>
      %add3A_1272 = arith.addf %add3A_1271, %add3A_1269 : vector<16xf32>
      %slice3A_1273 = vector.extract_strided_slice %get3A_299 {offsets = [15], sizes = [1], strides = [1]} : vector<16xf32> to vector<1xf32>
      %squeeze3A_1274 = vector.extract %slice3A_1273[0] : f32 from vector<1xf32>
      %slice3A_1275 = vector.extract_strided_slice %get3A_306 {offsets = [15], sizes = [1], strides = [1]} : vector<16xf32> to vector<1xf32>
      %squeeze3A_1276 = vector.extract %slice3A_1275[0] : f32 from vector<1xf32>
      %slice3A_1277 = vector.extract_strided_slice %get3A_313 {offsets = [15], sizes = [1], strides = [1]} : vector<16xf32> to vector<1xf32>
      %squeeze3A_1278 = vector.extract %slice3A_1277[0] : f32 from vector<1xf32>
      %slice3A_1279 = vector.extract_strided_slice %get3A_320 {offsets = [15], sizes = [1], strides = [1]} : vector<16xf32> to vector<1xf32>
      %squeeze3A_1280 = vector.extract %slice3A_1279[0] : f32 from vector<1xf32>
      %slice3A_1281 = vector.extract_strided_slice %get3A_325 {offsets = [15], sizes = [1], strides = [1]} : vector<16xf32> to vector<1xf32>
      %squeeze3A_1282 = vector.extract %slice3A_1281[0] : f32 from vector<1xf32>
      %mul3A_1283 = vector.broadcast %squeeze3A_1274 : f32 to vector<16xf32>
      %mul3A_1284 = arith.mulf %get3A_24, %mul3A_1283 : vector<16xf32>
      %mul3A_1285 = vector.broadcast %squeeze3A_1276 : f32 to vector<16xf32>
      %mul3A_1286 = arith.mulf %get3A_27, %mul3A_1285 : vector<16xf32>
      %add3A_1287 = arith.addf %mul3A_1284, %mul3A_1286 : vector<16xf32>
      %mul3A_1288 = vector.broadcast %squeeze3A_1278 : f32 to vector<16xf32>
      %mul3A_1289 = arith.mulf %get3A_30, %mul3A_1288 : vector<16xf32>
      %add3A_1290 = arith.addf %add3A_1287, %mul3A_1289 : vector<16xf32>
      %mul3A_1291 = vector.broadcast %squeeze3A_1280 : f32 to vector<16xf32>
      %mul3A_1292 = arith.mulf %get3A_33, %mul3A_1291 : vector<16xf32>
      %add3A_1293 = arith.addf %add3A_1290, %mul3A_1292 : vector<16xf32>
      %add3A_1294 = vector.broadcast %squeeze3A_1282 : f32 to vector<16xf32>
      %add3A_1295 = arith.addf %mul3A_43, %add3A_1294 : vector<16xf32>
      %add3A_1296 = arith.addf %add3A_1295, %add3A_1293 : vector<16xf32>
      %mul3A_1297 = vector.broadcast %squeeze3A_1274 : f32 to vector<16xf32>
      %mul3A_1298 = arith.mulf %get3A_46, %mul3A_1297 : vector<16xf32>
      %mul3A_1299 = vector.broadcast %squeeze3A_1276 : f32 to vector<16xf32>
      %mul3A_1300 = arith.mulf %get3A_49, %mul3A_1299 : vector<16xf32>
      %add3A_1301 = arith.addf %mul3A_1298, %mul3A_1300 : vector<16xf32>
      %mul3A_1302 = vector.broadcast %squeeze3A_1278 : f32 to vector<16xf32>
      %mul3A_1303 = arith.mulf %get3A_52, %mul3A_1302 : vector<16xf32>
      %add3A_1304 = arith.addf %add3A_1301, %mul3A_1303 : vector<16xf32>
      %mul3A_1305 = vector.broadcast %squeeze3A_1280 : f32 to vector<16xf32>
      %mul3A_1306 = arith.mulf %get3A_55, %mul3A_1305 : vector<16xf32>
      %add3A_1307 = arith.addf %add3A_1304, %mul3A_1306 : vector<16xf32>
      %add3A_1308 = vector.broadcast %squeeze3A_1282 : f32 to vector<16xf32>
      %add3A_1309 = arith.addf %mul3A_65, %add3A_1308 : vector<16xf32>
      %add3A_1310 = arith.addf %add3A_1309, %add3A_1307 : vector<16xf32>
      %mul3A_1311 = vector.broadcast %squeeze3A_1274 : f32 to vector<16xf32>
      %mul3A_1312 = arith.mulf %get3A_68, %mul3A_1311 : vector<16xf32>
      %mul3A_1313 = vector.broadcast %squeeze3A_1276 : f32 to vector<16xf32>
      %mul3A_1314 = arith.mulf %get3A_71, %mul3A_1313 : vector<16xf32>
      %add3A_1315 = arith.addf %mul3A_1312, %mul3A_1314 : vector<16xf32>
      %mul3A_1316 = vector.broadcast %squeeze3A_1278 : f32 to vector<16xf32>
      %mul3A_1317 = arith.mulf %get3A_74, %mul3A_1316 : vector<16xf32>
      %add3A_1318 = arith.addf %add3A_1315, %mul3A_1317 : vector<16xf32>
      %mul3A_1319 = vector.broadcast %squeeze3A_1280 : f32 to vector<16xf32>
      %mul3A_1320 = arith.mulf %get3A_77, %mul3A_1319 : vector<16xf32>
      %add3A_1321 = arith.addf %add3A_1318, %mul3A_1320 : vector<16xf32>
      %add3A_1322 = vector.broadcast %squeeze3A_1282 : f32 to vector<16xf32>
      %add3A_1323 = arith.addf %mul3A_87, %add3A_1322 : vector<16xf32>
      %add3A_1324 = arith.addf %add3A_1323, %add3A_1321 : vector<16xf32>
      %max3A_1325 = arith.maximumf %max3A_1063, %add3A_1140 : vector<16xf32>
      %max3A_1326 = arith.maximumf %max3A_1325, %add3A_1192 : vector<16xf32>
      %max3A_1327 = arith.maximumf %max3A_1326, %add3A_1244 : vector<16xf32>
      %max3A_1328 = arith.maximumf %max3A_1327, %add3A_1296 : vector<16xf32>
      %sub3A_1329 = arith.subf %add3A_1140, %max3A_1328 : vector<16xf32>
      %exp3A_1330 = math.exp %sub3A_1329 : vector<16xf32>
      %sub3A_1331 = arith.subf %add3A_1192, %max3A_1328 : vector<16xf32>
      %exp3A_1332 = math.exp %sub3A_1331 : vector<16xf32>
      %add3A_1333 = arith.addf %exp3A_1330, %exp3A_1332 : vector<16xf32>
      %sub3A_1334 = arith.subf %add3A_1244, %max3A_1328 : vector<16xf32>
      %exp3A_1335 = math.exp %sub3A_1334 : vector<16xf32>
      %sub3A_1336 = arith.subf %add3A_1296, %max3A_1328 : vector<16xf32>
      %exp3A_1337 = math.exp %sub3A_1336 : vector<16xf32>
      %add3A_1338 = arith.addf %exp3A_1335, %exp3A_1337 : vector<16xf32>
      %sub3A_1339 = arith.subf %max3A_1063, %max3A_1328 : vector<16xf32>
      %exp3A_1340 = math.exp %sub3A_1339 : vector<16xf32>
      %mul3A_1341 = arith.mulf %add3A_1078, %exp3A_1340 : vector<16xf32>
      %add3A_1342 = arith.addf %add3A_1333, %add3A_1338 : vector<16xf32>
      %add3A_1343 = arith.addf %mul3A_1341, %add3A_1342 : vector<16xf32>
      %max3A_1344 = arith.maximumf %max3A_1082, %add3A_1154 : vector<16xf32>
      %max3A_1345 = arith.maximumf %max3A_1344, %add3A_1206 : vector<16xf32>
      %max3A_1346 = arith.maximumf %max3A_1345, %add3A_1258 : vector<16xf32>
      %max3A_1347 = arith.maximumf %max3A_1346, %add3A_1310 : vector<16xf32>
      %sub3A_1348 = arith.subf %add3A_1154, %max3A_1347 : vector<16xf32>
      %exp3A_1349 = math.exp %sub3A_1348 : vector<16xf32>
      %sub3A_1350 = arith.subf %add3A_1206, %max3A_1347 : vector<16xf32>
      %exp3A_1351 = math.exp %sub3A_1350 : vector<16xf32>
      %add3A_1352 = arith.addf %exp3A_1349, %exp3A_1351 : vector<16xf32>
      %sub3A_1353 = arith.subf %add3A_1258, %max3A_1347 : vector<16xf32>
      %exp3A_1354 = math.exp %sub3A_1353 : vector<16xf32>
      %sub3A_1355 = arith.subf %add3A_1310, %max3A_1347 : vector<16xf32>
      %exp3A_1356 = math.exp %sub3A_1355 : vector<16xf32>
      %add3A_1357 = arith.addf %exp3A_1354, %exp3A_1356 : vector<16xf32>
      %sub3A_1358 = arith.subf %max3A_1082, %max3A_1347 : vector<16xf32>
      %exp3A_1359 = math.exp %sub3A_1358 : vector<16xf32>
      %mul3A_1360 = arith.mulf %add3A_1097, %exp3A_1359 : vector<16xf32>
      %add3A_1361 = arith.addf %add3A_1352, %add3A_1357 : vector<16xf32>
      %add3A_1362 = arith.addf %mul3A_1360, %add3A_1361 : vector<16xf32>
      %max3A_1363 = arith.maximumf %max3A_1101, %add3A_1168 : vector<16xf32>
      %max3A_1364 = arith.maximumf %max3A_1363, %add3A_1220 : vector<16xf32>
      %max3A_1365 = arith.maximumf %max3A_1364, %add3A_1272 : vector<16xf32>
      %max3A_1366 = arith.maximumf %max3A_1365, %add3A_1324 : vector<16xf32>
      %sub3A_1367 = arith.subf %add3A_1168, %max3A_1366 : vector<16xf32>
      %exp3A_1368 = math.exp %sub3A_1367 : vector<16xf32>
      %sub3A_1369 = arith.subf %add3A_1220, %max3A_1366 : vector<16xf32>
      %exp3A_1370 = math.exp %sub3A_1369 : vector<16xf32>
      %add3A_1371 = arith.addf %exp3A_1368, %exp3A_1370 : vector<16xf32>
      %sub3A_1372 = arith.subf %add3A_1272, %max3A_1366 : vector<16xf32>
      %exp3A_1373 = math.exp %sub3A_1372 : vector<16xf32>
      %sub3A_1374 = arith.subf %add3A_1324, %max3A_1366 : vector<16xf32>
      %exp3A_1375 = math.exp %sub3A_1374 : vector<16xf32>
      %add3A_1376 = arith.addf %exp3A_1373, %exp3A_1375 : vector<16xf32>
      %sub3A_1377 = arith.subf %max3A_1101, %max3A_1366 : vector<16xf32>
      %exp3A_1378 = math.exp %sub3A_1377 : vector<16xf32>
      %mul3A_1379 = arith.mulf %add3A_1116, %exp3A_1378 : vector<16xf32>
      %add3A_1380 = arith.addf %add3A_1371, %add3A_1376 : vector<16xf32>
      %add3A_1381 = arith.addf %mul3A_1379, %add3A_1380 : vector<16xf32>
      scf.yield %max3A_1328, %max3A_1347, %max3A_1366, %add3A_1343, %add3A_1362, %add3A_1381 : vector<16xf32>, vector<16xf32>, vector<16xf32>, vector<16xf32>, vector<16xf32>, vector<16xf32>
    }
    %scan3A_96 = arith.constant 128 : i32
    %bitcast_convert_type3A = tpu.bitcast %scan3A_95#3 : vector<16xf32> -> vector<16xi32>
    %shift_right_logical3A = arith.constant 23 : i32
    %shift_right_logical3A_97 = vector.broadcast %shift_right_logical3A : i32 to vector<16xi32>
    %shift_right_logical3A_98 = arith.shrui %bitcast_convert_type3A, %shift_right_logical3A_97 : vector<16xi32>
    %sub3A_99 = arith.constant 127 : i32
    %sub3A_100 = vector.broadcast %sub3A_99 : i32 to vector<16xi32>
    %sub3A_101 = arith.subi %shift_right_logical3A_98, %sub3A_100 : vector<16xi32>
    %and3A_102 = arith.constant 8388607 : i32
    %and3A_103 = vector.broadcast %and3A_102 : i32 to vector<16xi32>
    %and3A_104 = arith.andi %bitcast_convert_type3A, %and3A_103 : vector<16xi32>
    %or3A = arith.constant 1065353216 : i32
    %or3A_105 = vector.broadcast %or3A : i32 to vector<16xi32>
    %or3A_106 = arith.ori %and3A_104, %or3A_105 : vector<16xi32>
    %bitcast_convert_type3A_107 = tpu.bitcast %or3A_106 : vector<16xi32> -> vector<16xf32>
    %gt3A = arith.constant 1.41421354 : f32
    %gt3A_108 = vector.broadcast %gt3A : f32 to vector<16xf32>
    %gt3A_109 = arith.cmpf ogt, %bitcast_convert_type3A_107, %gt3A_108 : vector<16xf32>
    %mul3A_110 = arith.constant 5.000000e-01 : f32
    %mul3A_111 = vector.broadcast %mul3A_110 : f32 to vector<16xf32>
    %mul3A_112 = arith.mulf %bitcast_convert_type3A_107, %mul3A_111 : vector<16xf32>
    %select_n3A_113 = arith.select %gt3A_109, %mul3A_112, %bitcast_convert_type3A_107 : vector<16xi1>, vector<16xf32>
    %add3A_114 = arith.constant 1 : i32
    %add3A_115 = vector.broadcast %add3A_114 : i32 to vector<16xi32>
    %add3A_116 = arith.addi %sub3A_101, %add3A_115 : vector<16xi32>
    %select_n3A_117 = arith.select %gt3A_109, %add3A_116, %sub3A_101 : vector<16xi1>, vector<16xi32>
    %sub3A_118 = arith.constant 1.000000e+00 : f32
    %sub3A_119 = vector.broadcast %sub3A_118 : f32 to vector<16xf32>
    %sub3A_120 = arith.subf %select_n3A_113, %sub3A_119 : vector<16xf32>
    %add3A_121 = arith.constant 1.000000e+00 : f32
    %add3A_122 = vector.broadcast %add3A_121 : f32 to vector<16xf32>
    %add3A_123 = arith.addf %select_n3A_113, %add3A_122 : vector<16xf32>
    %div3A_124 = arith.divf %sub3A_120, %add3A_123 : vector<16xf32>
    %mul3A_125 = arith.mulf %div3A_124, %div3A_124 : vector<16xf32>
    %mul3A_126 = arith.constant 2.000000e+00 : f32
    %mul3A_127 = vector.broadcast %mul3A_126 : f32 to vector<16xf32>
    %mul3A_128 = arith.mulf %mul3A_127, %div3A_124 : vector<16xf32>
    %mul3A_129 = arith.constant 0.111111112 : f32
    %mul3A_130 = vector.broadcast %mul3A_129 : f32 to vector<16xf32>
    %mul3A_131 = arith.mulf %mul3A_125, %mul3A_130 : vector<16xf32>
    %add3A_132 = arith.constant 0.142857149 : f32
    %add3A_133 = vector.broadcast %add3A_132 : f32 to vector<16xf32>
    %add3A_134 = arith.addf %add3A_133, %mul3A_131 : vector<16xf32>
    %mul3A_135 = arith.mulf %mul3A_125, %add3A_134 : vector<16xf32>
    %add3A_136 = arith.constant 2.000000e-01 : f32
    %add3A_137 = vector.broadcast %add3A_136 : f32 to vector<16xf32>
    %add3A_138 = arith.addf %add3A_137, %mul3A_135 : vector<16xf32>
    %mul3A_139 = arith.mulf %mul3A_125, %add3A_138 : vector<16xf32>
    %add3A_140 = arith.constant 0.333333343 : f32
    %add3A_141 = vector.broadcast %add3A_140 : f32 to vector<16xf32>
    %add3A_142 = arith.addf %add3A_141, %mul3A_139 : vector<16xf32>
    %mul3A_143 = arith.mulf %mul3A_125, %add3A_142 : vector<16xf32>
    %add3A_144 = arith.constant 1.000000e+00 : f32
    %add3A_145 = vector.broadcast %add3A_144 : f32 to vector<16xf32>
    %add3A_146 = arith.addf %add3A_145, %mul3A_143 : vector<16xf32>
    %mul3A_147 = arith.mulf %mul3A_128, %add3A_146 : vector<16xf32>
    %convert_element_type3A = arith.sitofp %select_n3A_117 : vector<16xi32> to vector<16xf32>
    %mul3A_148 = arith.constant 0.693147182 : f32
    %mul3A_149 = vector.broadcast %mul3A_148 : f32 to vector<16xf32>
    %mul3A_150 = arith.mulf %convert_element_type3A, %mul3A_149 : vector<16xf32>
    %add3A_151 = arith.addf %mul3A_150, %mul3A_147 : vector<16xf32>
    %add3A_152 = arith.addf %scan3A_95#0, %add3A_151 : vector<16xf32>
    %swap3A = arith.constant 0 : index
    %swap3A_153 = tpu.vector_load %arg10[%swap3A] {strides = array<i32>} : memref<48xf32, #tpu.memory_space<vmem>>, vector<16xf32>,
    %swap3A_154 = vector.shape_cast %swap3A_153 : vector<16xf32> to vector<16xf32>
    %swap3A_155 = vector.shape_cast %add3A_152 : vector<16xf32> to vector<16xf32>
    tpu.vector_store %arg10[%swap3A], %swap3A_155 {strides = array<i32>} : memref<48xf32, #tpu.memory_space<vmem>>, vector<16xf32>,
    %bitcast_convert_type3A_156 = tpu.bitcast %scan3A_95#4 : vector<16xf32> -> vector<16xi32>
    %shift_right_logical3A_157 = arith.constant 23 : i32
    %shift_right_logical3A_158 = vector.broadcast %shift_right_logical3A_157 : i32 to vector<16xi32>
    %shift_right_logical3A_159 = arith.shrui %bitcast_convert_type3A_156, %shift_right_logical3A_158 : vector<16xi32>
    %sub3A_160 = arith.constant 127 : i32
    %sub3A_161 = vector.broadcast %sub3A_160 : i32 to vector<16xi32>
    %sub3A_162 = arith.subi %shift_right_logical3A_159, %sub3A_161 : vector<16xi32>
    %and3A_163 = arith.constant 8388607 : i32
    %and3A_164 = vector.broadcast %and3A_163 : i32 to vector<16xi32>
    %and3A_165 = arith.andi %bitcast_convert_type3A_156, %and3A_164 : vector<16xi32>
    %or3A_166 = arith.constant 1065353216 : i32
    %or3A_167 = vector.broadcast %or3A_166 : i32 to vector<16xi32>
    %or3A_168 = arith.ori %and3A_165, %or3A_167 : vector<16xi32>
    %bitcast_convert_type3A_169 = tpu.bitcast %or3A_168 : vector<16xi32> -> vector<16xf32>
    %gt3A_170 = arith.constant 1.41421354 : f32
    %gt3A_171 = vector.broadcast %gt3A_170 : f32 to vector<16xf32>
    %gt3A_172 = arith.cmpf ogt, %bitcast_convert_type3A_169, %gt3A_171 : vector<16xf32>
    %mul3A_173 = arith.constant 5.000000e-01 : f32
    %mul3A_174 = vector.broadcast %mul3A_173 : f32 to vector<16xf32>
    %mul3A_175 = arith.mulf %bitcast_convert_type3A_169, %mul3A_174 : vector<16xf32>
    %select_n3A_176 = arith.select %gt3A_172, %mul3A_175, %bitcast_convert_type3A_169 : vector<16xi1>, vector<16xf32>
    %add3A_177 = arith.constant 1 : i32
    %add3A_178 = vector.broadcast %add3A_177 : i32 to vector<16xi32>
    %add3A_179 = arith.addi %sub3A_162, %add3A_178 : vector<16xi32>
    %select_n3A_180 = arith.select %gt3A_172, %add3A_179, %sub3A_162 : vector<16xi1>, vector<16xi32>
    %sub3A_181 = arith.constant 1.000000e+00 : f32
    %sub3A_182 = vector.broadcast %sub3A_181 : f32 to vector<16xf32>
    %sub3A_183 = arith.subf %select_n3A_176, %sub3A_182 : vector<16xf32>
    %add3A_184 = arith.constant 1.000000e+00 : f32
    %add3A_185 = vector.broadcast %add3A_184 : f32 to vector<16xf32>
    %add3A_186 = arith.addf %select_n3A_176, %add3A_185 : vector<16xf32>
    %div3A_187 = arith.divf %sub3A_183, %add3A_186 : vector<16xf32>
    %mul3A_188 = arith.mulf %div3A_187, %div3A_187 : vector<16xf32>
    %mul3A_189 = arith.constant 2.000000e+00 : f32
    %mul3A_190 = vector.broadcast %mul3A_189 : f32 to vector<16xf32>
    %mul3A_191 = arith.mulf %mul3A_190, %div3A_187 : vector<16xf32>
    %mul3A_192 = arith.constant 0.111111112 : f32
    %mul3A_193 = vector.broadcast %mul3A_192 : f32 to vector<16xf32>
    %mul3A_194 = arith.mulf %mul3A_188, %mul3A_193 : vector<16xf32>
    %add3A_195 = arith.constant 0.142857149 : f32
    %add3A_196 = vector.broadcast %add3A_195 : f32 to vector<16xf32>
    %add3A_197 = arith.addf %add3A_196, %mul3A_194 : vector<16xf32>
    %mul3A_198 = arith.mulf %mul3A_188, %add3A_197 : vector<16xf32>
    %add3A_199 = arith.constant 2.000000e-01 : f32
    %add3A_200 = vector.broadcast %add3A_199 : f32 to vector<16xf32>
    %add3A_201 = arith.addf %add3A_200, %mul3A_198 : vector<16xf32>
    %mul3A_202 = arith.mulf %mul3A_188, %add3A_201 : vector<16xf32>
    %add3A_203 = arith.constant 0.333333343 : f32
    %add3A_204 = vector.broadcast %add3A_203 : f32 to vector<16xf32>
    %add3A_205 = arith.addf %add3A_204, %mul3A_202 : vector<16xf32>
    %mul3A_206 = arith.mulf %mul3A_188, %add3A_205 : vector<16xf32>
    %add3A_207 = arith.constant 1.000000e+00 : f32
    %add3A_208 = vector.broadcast %add3A_207 : f32 to vector<16xf32>
    %add3A_209 = arith.addf %add3A_208, %mul3A_206 : vector<16xf32>
    %mul3A_210 = arith.mulf %mul3A_191, %add3A_209 : vector<16xf32>
    %convert_element_type3A_211 = arith.sitofp %select_n3A_180 : vector<16xi32> to vector<16xf32>
    %mul3A_212 = arith.constant 0.693147182 : f32
    %mul3A_213 = vector.broadcast %mul3A_212 : f32 to vector<16xf32>
    %mul3A_214 = arith.mulf %convert_element_type3A_211, %mul3A_213 : vector<16xf32>
    %add3A_215 = arith.addf %mul3A_214, %mul3A_210 : vector<16xf32>
    %add3A_216 = arith.addf %scan3A_95#1, %add3A_215 : vector<16xf32>
    %swap3A_217 = arith.constant 16 : index
    %swap3A_218 = tpu.vector_load %arg10[%swap3A_217] {strides = array<i32>} : memref<48xf32, #tpu.memory_space<vmem>>, vector<16xf32>,
    %swap3A_219 = vector.shape_cast %swap3A_218 : vector<16xf32> to vector<16xf32>
    %swap3A_220 = vector.shape_cast %add3A_216 : vector<16xf32> to vector<16xf32>
    tpu.vector_store %arg10[%swap3A_217], %swap3A_220 {strides = array<i32>} : memref<48xf32, #tpu.memory_space<vmem>>, vector<16xf32>,
    %bitcast_convert_type3A_221 = tpu.bitcast %scan3A_95#5 : vector<16xf32> -> vector<16xi32>
    %shift_right_logical3A_222 = arith.constant 23 : i32
    %shift_right_logical3A_223 = vector.broadcast %shift_right_logical3A_222 : i32 to vector<16xi32>
    %shift_right_logical3A_224 = arith.shrui %bitcast_convert_type3A_221, %shift_right_logical3A_223 : vector<16xi32>
    %sub3A_225 = arith.constant 127 : i32
    %sub3A_226 = vector.broadcast %sub3A_225 : i32 to vector<16xi32>
    %sub3A_227 = arith.subi %shift_right_logical3A_224, %sub3A_226 : vector<16xi32>
    %and3A_228 = arith.constant 8388607 : i32
    %and3A_229 = vector.broadcast %and3A_228 : i32 to vector<16xi32>
    %and3A_230 = arith.andi %bitcast_convert_type3A_221, %and3A_229 : vector<16xi32>
    %or3A_231 = arith.constant 1065353216 : i32
    %or3A_232 = vector.broadcast %or3A_231 : i32 to vector<16xi32>
    %or3A_233 = arith.ori %and3A_230, %or3A_232 : vector<16xi32>
    %bitcast_convert_type3A_234 = tpu.bitcast %or3A_233 : vector<16xi32> -> vector<16xf32>
    %gt3A_235 = arith.constant 1.41421354 : f32
    %gt3A_236 = vector.broadcast %gt3A_235 : f32 to vector<16xf32>
    %gt3A_237 = arith.cmpf ogt, %bitcast_convert_type3A_234, %gt3A_236 : vector<16xf32>
    %mul3A_238 = arith.constant 5.000000e-01 : f32
    %mul3A_239 = vector.broadcast %mul3A_238 : f32 to vector<16xf32>
    %mul3A_240 = arith.mulf %bitcast_convert_type3A_234, %mul3A_239 : vector<16xf32>
    %select_n3A_241 = arith.select %gt3A_237, %mul3A_240, %bitcast_convert_type3A_234 : vector<16xi1>, vector<16xf32>
    %add3A_242 = arith.constant 1 : i32
    %add3A_243 = vector.broadcast %add3A_242 : i32 to vector<16xi32>
    %add3A_244 = arith.addi %sub3A_227, %add3A_243 : vector<16xi32>
    %select_n3A_245 = arith.select %gt3A_237, %add3A_244, %sub3A_227 : vector<16xi1>, vector<16xi32>
    %sub3A_246 = arith.constant 1.000000e+00 : f32
    %sub3A_247 = vector.broadcast %sub3A_246 : f32 to vector<16xf32>
    %sub3A_248 = arith.subf %select_n3A_241, %sub3A_247 : vector<16xf32>
    %add3A_249 = arith.constant 1.000000e+00 : f32
    %add3A_250 = vector.broadcast %add3A_249 : f32 to vector<16xf32>
    %add3A_251 = arith.addf %select_n3A_241, %add3A_250 : vector<16xf32>
    %div3A_252 = arith.divf %sub3A_248, %add3A_251 : vector<16xf32>
    %mul3A_253 = arith.mulf %div3A_252, %div3A_252 : vector<16xf32>
    %mul3A_254 = arith.constant 2.000000e+00 : f32
    %mul3A_255 = vector.broadcast %mul3A_254 : f32 to vector<16xf32>
    %mul3A_256 = arith.mulf %mul3A_255, %div3A_252 : vector<16xf32>
    %mul3A_257 = arith.constant 0.111111112 : f32
    %mul3A_258 = vector.broadcast %mul3A_257 : f32 to vector<16xf32>
    %mul3A_259 = arith.mulf %mul3A_253, %mul3A_258 : vector<16xf32>
    %add3A_260 = arith.constant 0.142857149 : f32
    %add3A_261 = vector.broadcast %add3A_260 : f32 to vector<16xf32>
    %add3A_262 = arith.addf %add3A_261, %mul3A_259 : vector<16xf32>
    %mul3A_263 = arith.mulf %mul3A_253, %add3A_262 : vector<16xf32>
    %add3A_264 = arith.constant 2.000000e-01 : f32
    %add3A_265 = vector.broadcast %add3A_264 : f32 to vector<16xf32>
    %add3A_266 = arith.addf %add3A_265, %mul3A_263 : vector<16xf32>
    %mul3A_267 = arith.mulf %mul3A_253, %add3A_266 : vector<16xf32>
    %add3A_268 = arith.constant 0.333333343 : f32
    %add3A_269 = vector.broadcast %add3A_268 : f32 to vector<16xf32>
    %add3A_270 = arith.addf %add3A_269, %mul3A_267 : vector<16xf32>
    %mul3A_271 = arith.mulf %mul3A_253, %add3A_270 : vector<16xf32>
    %add3A_272 = arith.constant 1.000000e+00 : f32
    %add3A_273 = vector.broadcast %add3A_272 : f32 to vector<16xf32>
    %add3A_274 = arith.addf %add3A_273, %mul3A_271 : vector<16xf32>
    %mul3A_275 = arith.mulf %mul3A_256, %add3A_274 : vector<16xf32>
    %convert_element_type3A_276 = arith.sitofp %select_n3A_245 : vector<16xi32> to vector<16xf32>
    %mul3A_277 = arith.constant 0.693147182 : f32
    %mul3A_278 = vector.broadcast %mul3A_277 : f32 to vector<16xf32>
    %mul3A_279 = arith.mulf %convert_element_type3A_276, %mul3A_278 : vector<16xf32>
    %add3A_280 = arith.addf %mul3A_279, %mul3A_275 : vector<16xf32>
    %add3A_281 = arith.addf %scan3A_95#2, %add3A_280 : vector<16xf32>
    %swap3A_282 = arith.constant 32 : index
    %swap3A_283 = tpu.vector_load %arg10[%swap3A_282] {strides = array<i32>} : memref<48xf32, #tpu.memory_space<vmem>>, vector<16xf32>,
    %swap3A_284 = vector.shape_cast %swap3A_283 : vector<16xf32> to vector<16xf32>
    %swap3A_285 = vector.shape_cast %add3A_281 : vector<16xf32> to vector<16xf32>
    tpu.vector_store %arg10[%swap3A_282], %swap3A_285 {strides = array<i32>} : memref<48xf32, #tpu.memory_space<vmem>>, vector<16xf32>,
    "tpu.region"() ({
      %run_scoped3A = tpu.sem_alloc : memref<!tpu.dma_semaphore, #tpu.memory_space<semaphore_mem>>
      %dma_start3A = arith.constant 0 : i32
      %dma_start3A_286 = tpu.memref_slice %arg5[%add3A, %dma_start3A] : memref<32x48xf32, #tpu.memory_space<hbm>> -> memref<1x48xf32, #tpu.memory_space<hbm>>
      %dma_start3A_287 = tpu.memref_squeeze %dma_start3A_286 : memref<1x48xf32, #tpu.memory_space<hbm>> -> memref<48xf32, #tpu.memory_space<hbm>>
      %dma_start3A_288 = arith.constant 0 : i32
      %dma_start3A_289 = tpu.memref_slice %arg5[%add3A, %dma_start3A_288] : memref<32x48xf32, #tpu.memory_space<hbm>> -> memref<1x48xf32, #tpu.memory_space<hbm>>
      %dma_start3A_290 = tpu.memref_squeeze %dma_start3A_289 : memref<1x48xf32, #tpu.memory_space<hbm>> -> memref<48xf32, #tpu.memory_space<hbm>>
      tpu.enqueue_dma source(%arg10 : memref<48xf32, #tpu.memory_space<vmem>>) target(%dma_start3A_290 : memref<48xf32, #tpu.memory_space<hbm>>) target_semaphore(%run_scoped3A : memref<!tpu.dma_semaphore, #tpu.memory_space<semaphore_mem>>)
      %dma_wait3A = arith.constant 0 : i32
      %dma_wait3A_291 = tpu.memref_slice %arg5[%add3A, %dma_wait3A] : memref<32x48xf32, #tpu.memory_space<hbm>> -> memref<1x48xf32, #tpu.memory_space<hbm>>
      %dma_wait3A_292 = tpu.memref_squeeze %dma_wait3A_291 : memref<1x48xf32, #tpu.memory_space<hbm>> -> memref<48xf32, #tpu.memory_space<hbm>>
      %dma_wait3A_293 = arith.constant 0 : i32
      %dma_wait3A_294 = tpu.memref_slice %arg5[%add3A, %dma_wait3A_293] : memref<32x48xf32, #tpu.memory_space<hbm>> -> memref<1x48xf32, #tpu.memory_space<hbm>>
      %dma_wait3A_295 = tpu.memref_squeeze %dma_wait3A_294 : memref<1x48xf32, #tpu.memory_space<hbm>> -> memref<48xf32, #tpu.memory_space<hbm>>
      tpu.wait_dma2 semaphore(%run_scoped3A : memref<!tpu.dma_semaphore, #tpu.memory_space<semaphore_mem>>) src(%arg10 : memref<48xf32, #tpu.memory_space<vmem>>) dst(%dma_wait3A_295 : memref<48xf32, #tpu.memory_space<hbm>>)
      tpu.yield
    }) : () -> ()
    return
  }
}

module attributes {stable_mosaic.version = 14 : i64} {
  func.func @_tc_body(%arg0: i32, %arg1: i32, %arg2: memref<1x832x8xf32, #tpu.memory_space<vmem>>, %arg3: memref<1x8x2048xf32, #tpu.memory_space<vmem>>, %arg4: memref<1x1x2048xf32, #tpu.memory_space<vmem>>, %arg5: memref<1x1x1x832xf32, #tpu.memory_space<vmem>>) attributes {dimension_semantics = [#tpu.dimension_semantics<arbitrary>, #tpu.dimension_semantics<arbitrary>], iteration_bounds = array<i64: 4, 2>, scalar_prefetch = 0 : i64, scratch_operands = 0 : i64, tpu.core_type = #tpu.core_type<tc>, window_params = [{transform_indices = @transform_0, window_bounds = array<i64: 1, 832, 8>}, {transform_indices = @transform_1, window_bounds = array<i64: 1, 8, 2048>}, {transform_indices = @transform_2, window_bounds = array<i64: 1, 1, 2048>}, {transform_indices = @transform_3, window_bounds = array<i64: 1, 1, 1, 832>}]} {
    %get3A = arith.constant 0 : index
    %get3A_0 = arith.constant 0 : index
    %get3A_1 = arith.constant 0 : index
    %get3A_2 = vector.load %arg2[%get3A, %get3A_0, %get3A_1] : memref<1x832x8xf32, #tpu.memory_space<vmem>>, vector<1x832x8xf32>
    %get3A_3 = vector.shape_cast %get3A_2 : vector<1x832x8xf32> to vector<832x8xf32>
    %get3A_4 = arith.constant 0 : index
    %get3A_5 = arith.constant 0 : index
    %get3A_6 = arith.constant 0 : index
    %get3A_7 = vector.load %arg3[%get3A_4, %get3A_5, %get3A_6] : memref<1x8x2048xf32, #tpu.memory_space<vmem>>, vector<1x8x2048xf32>
    %get3A_8 = vector.shape_cast %get3A_7 : vector<1x8x2048xf32> to vector<8x2048xf32>
    %get3A_9 = arith.constant 0 : index
    %get3A_10 = arith.constant 0 : index
    %get3A_11 = arith.constant 0 : index
    %get3A_12 = vector.load %arg4[%get3A_9, %get3A_10, %get3A_11] : memref<1x1x2048xf32, #tpu.memory_space<vmem>>, vector<1x1x2048xf32>
    %get3A_13 = vector.shape_cast %get3A_12 : vector<1x1x2048xf32> to vector<2048xf32>
    %mul3A = arith.mulf %get3A_8, %get3A_8 : vector<8x2048xf32>
    %reduce_sum3A = arith.constant dense<0.000000e+00> : vector<2048xf32>
    %reduce_sum3A_14 = vector.multi_reduction <add>, %mul3A, %reduce_sum3A [0] : vector<8x2048xf32> to vector<2048xf32>
    %mul3A_15 = arith.constant 5.000000e+01 : f32
    %mul3A_16 = vector.broadcast %mul3A_15 : f32 to vector<2048xf32>
    %mul3A_17 = arith.mulf %mul3A_16, %reduce_sum3A_14 : vector<2048xf32>
    %sub3A = arith.subf %get3A_13, %mul3A_17 : vector<2048xf32>
    %sub3A_18 = arith.constant -5.53458643 : f32
    %sub3A_19 = vector.broadcast %sub3A_18 : f32 to vector<2048xf32>
    %sub3A_20 = arith.subf %sub3A, %sub3A_19 : vector<2048xf32>
    %mul3A_21 = arith.mulf %get3A_3, %get3A_3 : vector<832x8xf32>
    %reduce_sum3A_22 = arith.constant dense<0.000000e+00> : vector<832xf32>
    %reduce_sum3A_23 = vector.multi_reduction <add>, %mul3A_21, %reduce_sum3A_22 [1] : vector<832x8xf32> to vector<832xf32>
    %mul3A_24 = arith.constant -5.000000e+01 : f32
    %mul3A_25 = vector.broadcast %mul3A_24 : f32 to vector<832xf32>
    %mul3A_26 = arith.mulf %mul3A_25, %reduce_sum3A_23 : vector<832xf32>
    %iota3A = tpu.iota {dimensions = array<i32: 1>} : vector<832x8xi32>
    %eq3A = arith.constant 4 : i32
    %eq3A_27 = vector.broadcast %eq3A : i32 to vector<832x8xi32>
    %eq3A_28 = arith.cmpi eq, %iota3A, %eq3A_27 : vector<832x8xi32>
    %broadcast_in_dim3A = vector.shape_cast %mul3A_26 : vector<832xf32> to vector<832x1xf32>
    %jit3A = arith.constant 0.000000e+00 : f32
    %broadcast_in_dim3A_29 = vector.shape_cast %broadcast_in_dim3A : vector<832x1xf32> to vector<832x1xf32>
    %broadcast_in_dim3A_30 = vector.broadcast %broadcast_in_dim3A_29 : vector<832x1xf32> to vector<832x8xf32>
    %broadcast_in_dim3A_31 = vector.broadcast %jit3A : f32 to vector<832x8xf32>
    %select_n3A = arith.select %eq3A_28, %broadcast_in_dim3A_30, %broadcast_in_dim3A_31 : vector<832x8xi1>, vector<832x8xf32>
    %add3A = arith.addf %get3A_3, %select_n3A : vector<832x8xf32>
    %eq3A_32 = arith.constant 5 : i32
    %eq3A_33 = vector.broadcast %eq3A_32 : i32 to vector<832x8xi32>
    %eq3A_34 = arith.cmpi eq, %iota3A, %eq3A_33 : vector<832x8xi32>
    %jit3A_35 = arith.constant 1.000000e+00 : f32
    %jit3A_36 = arith.constant 0.000000e+00 : f32
    %broadcast_in_dim3A_37 = vector.broadcast %jit3A_35 : f32 to vector<832x8xf32>
    %broadcast_in_dim3A_38 = vector.broadcast %jit3A_36 : f32 to vector<832x8xf32>
    %select_n3A_39 = arith.select %eq3A_34, %broadcast_in_dim3A_37, %broadcast_in_dim3A_38 : vector<832x8xi1>, vector<832x8xf32>
    %add3A_40 = arith.addf %add3A, %select_n3A_39 : vector<832x8xf32>
    %iota3A_41 = tpu.iota {dimensions = array<i32: 0>} : vector<8x2048xi32>
    %eq3A_42 = arith.constant 4 : i32
    %eq3A_43 = vector.broadcast %eq3A_42 : i32 to vector<8x2048xi32>
    %eq3A_44 = arith.cmpi eq, %iota3A_41, %eq3A_43 : vector<8x2048xi32>
    %eq3A_45 = arith.constant 5 : i32
    %eq3A_46 = vector.broadcast %eq3A_45 : i32 to vector<8x2048xi32>
    %eq3A_47 = arith.cmpi eq, %iota3A_41, %eq3A_46 : vector<8x2048xi32>
    %broadcast_in_dim3A_48 = vector.shape_cast %sub3A_20 : vector<2048xf32> to vector<1x2048xf32>
    %mul3A_49 = arith.constant 1.000000e+02 : f32
    %mul3A_50 = vector.broadcast %mul3A_49 : f32 to vector<8x2048xf32>
    %mul3A_51 = arith.mulf %mul3A_50, %get3A_8 : vector<8x2048xf32>
    %broadcast_in_dim3A_52 = vector.shape_cast %broadcast_in_dim3A_48 : vector<1x2048xf32> to vector<1x2048xf32>
    %broadcast_in_dim3A_53 = vector.broadcast %broadcast_in_dim3A_52 : vector<1x2048xf32> to vector<8x2048xf32>
    %select_n3A_54 = arith.select %eq3A_47, %broadcast_in_dim3A_53, %mul3A_51 : vector<8x2048xi1>, vector<8x2048xf32>
    %jit3A_55 = arith.constant 1.000000e+00 : f32
    %broadcast_in_dim3A_56 = vector.broadcast %jit3A_55 : f32 to vector<8x2048xf32>
    %select_n3A_57 = arith.select %eq3A_44, %broadcast_in_dim3A_56, %select_n3A_54 : vector<8x2048xi1>, vector<8x2048xf32>
    %convert_element_type3A = arith.truncf %add3A_40 : vector<832x8xf32> to vector<832x8xbf16>
    %convert_element_type3A_58 = arith.extf %convert_element_type3A : vector<832x8xbf16> to vector<832x8xf32>
    %sub3A_59 = arith.subf %add3A_40, %convert_element_type3A_58 : vector<832x8xf32>
    %convert_element_type3A_60 = arith.truncf %sub3A_59 : vector<832x8xf32> to vector<832x8xbf16>
    %convert_element_type3A_61 = arith.truncf %select_n3A_57 : vector<8x2048xf32> to vector<8x2048xbf16>
    %convert_element_type3A_62 = arith.extf %convert_element_type3A_61 : vector<8x2048xbf16> to vector<8x2048xf32>
    %sub3A_63 = arith.subf %select_n3A_57, %convert_element_type3A_62 : vector<8x2048xf32>
    %convert_element_type3A_64 = arith.truncf %sub3A_63 : vector<8x2048xf32> to vector<8x2048xbf16>
    %concatenate3A = tpu.concatenate %convert_element_type3A, %convert_element_type3A, %convert_element_type3A_60 in 1 : vector<832x8xbf16>, vector<832x8xbf16>, vector<832x8xbf16> -> vector<832x24xbf16>
    %concatenate3A_65 = tpu.concatenate %convert_element_type3A_61, %convert_element_type3A_64, %convert_element_type3A_61 in 0 : vector<8x2048xbf16>, vector<8x2048xbf16>, vector<8x2048xbf16> -> vector<24x2048xbf16>
    %dot_general3A = arith.constant dense<0.000000e+00> : vector<832x2048xf32>
    %dot_general3A_66 = tpu.matmul %concatenate3A, %concatenate3A_65, %dot_general3A {dimension_numbers = #tpu.dot_dimension_numbers<[1], [0], [0], [1], [0, 0, 1, 1], [], []>, transpose_lhs_hint = false} : vector<832x24xbf16>, vector<24x2048xbf16>, vector<832x2048xf32> -> vector<832x2048xf32>
    %reduce_max3A = arith.constant dense<0xFF800000> : vector<832xf32>
    %reduce_max3A_67 = vector.multi_reduction <maximumf>, %dot_general3A_66, %reduce_max3A [1] : vector<832x2048xf32> to vector<832xf32>
    %broadcast_in_dim3A_68 = vector.shape_cast %reduce_max3A_67 : vector<832xf32> to vector<832x1xf32>
    %sub3A_69 = vector.broadcast %broadcast_in_dim3A_68 : vector<832x1xf32> to vector<832x2048xf32>
    %sub3A_70 = arith.subf %dot_general3A_66, %sub3A_69 : vector<832x2048xf32>
    %exp3A = math.exp %sub3A_70 : vector<832x2048xf32>
    %reduce_sum3A_71 = arith.constant dense<0.000000e+00> : vector<832xf32>
    %reduce_sum3A_72 = vector.multi_reduction <add>, %exp3A, %reduce_sum3A_71 [1] : vector<832x2048xf32> to vector<832xf32>
    %log3A = math.log %reduce_sum3A_72 : vector<832xf32>
    %add3A_73 = arith.addf %reduce_max3A_67, %log3A : vector<832xf32>
    %swap3A = arith.constant 0 : index
    %swap3A_74 = arith.constant 0 : index
    %swap3A_75 = arith.constant 0 : index
    %swap3A_76 = arith.constant 0 : index
    %swap3A_77 = vector.load %arg5[%swap3A, %swap3A_74, %swap3A_75, %swap3A_76] : memref<1x1x1x832xf32, #tpu.memory_space<vmem>>, vector<1x1x1x832xf32>
    %swap3A_78 = vector.shape_cast %swap3A_77 : vector<1x1x1x832xf32> to vector<832xf32>
    %swap3A_79 = vector.shape_cast %add3A_73 : vector<832xf32> to vector<1x1x1x832xf32>
    tpu.vector_store %arg5[%swap3A, %swap3A_74, %swap3A_75, %swap3A_76], %swap3A_79 {strides = array<i32>} : memref<1x1x1x832xf32, #tpu.memory_space<vmem>>, vector<1x1x1x832xf32>,
    return
  }
  func.func @transform_0(%arg0: i32, %arg1: i32) -> (i32, i32, i32) {
    %c0_i32 = arith.constant 0 : i32
    %c0_i32_0 = arith.constant 0 : i32
    return %arg0, %arg1, %c0_i32 : i32, i32, i32
  }
  func.func @transform_1(%arg0: i32, %arg1: i32) -> (i32, i32, i32) {
    %c0_i32 = arith.constant 0 : i32
    %c0_i32_0 = arith.constant 0 : i32
    %c0_i32_1 = arith.constant 0 : i32
    return %arg0, %c0_i32, %c0_i32_0 : i32, i32, i32
  }
  func.func @transform_2(%arg0: i32, %arg1: i32) -> (i32, i32, i32) {
    %c0_i32 = arith.constant 0 : i32
    %c0_i32_0 = arith.constant 0 : i32
    %c0_i32_1 = arith.constant 0 : i32
    return %arg0, %c0_i32, %c0_i32_0 : i32, i32, i32
  }
  func.func @transform_3(%arg0: i32, %arg1: i32) -> (i32, i32, i32, i32) {
    %c0_i32 = arith.constant 0 : i32
    %c0_i32_0 = arith.constant 0 : i32
    %c0_i32_1 = arith.constant 0 : i32
    return %arg0, %arg1, %c0_i32, %c0_i32_0 : i32, i32, i32, i32
  }
}

</mosaic_0001>

<sc_bundles>
// kernel: kernel.4.cloned.1.call-start
scs
__scs_entry_jumppad:
0x0: {  	(pc) =	sbr.rel $0x88, $3  }
0x1: {  	(tag) =	ssettag $0x0;
	lr =	simm.s32 $0x1  }
0x2: {  	[smem:$0x3F9E] =	sst lr;
	_ =	strace $0xD0000000  }
0x3: {  	_ = 	snop  }
0x4: {  	_ = 	snop  }
0x5: {  	_ = 	snop  }
0x6: {  	_ = 	snop  }
0x7: {  	_ = 	snop  }
__scs_overlays_trampoline_lowered:
0x8: {  	[smem:$0x3FAD] =	sst s0  }
0x9: {  	[smem:$0x3FAE] =	sst s1  }
0xa: {  	[smem:$0x3FAF] =	sst s2  }
0xb: {  	[smem:$0x3FB0] =	sst s3  }
0xc: {  	[smem:$0x3FB1] =	sst s4  }
0xd: {  	[smem:$0x3FB2] =	sst s5  }
0xe: {  	[smem:$0x3FB3] =	sst s6  }
0xf: {  	[smem:$0x3FB4] =	sst s7  }
0x10: {  	[smem:$0x3FB5] =	sst s8  }
0x11: {  	[smem:$0x3FB6] =	sst s9;
	s0 =	simm.s32 @!p0 $0x0  }
0x12: {  	s1 =	sld [smem:$0x3F9C];
	s0 =	simm.s32 @p0 $0x1  }
0x13: {  	[smem:$0x3FB7] =	sst s0;
	s0 =	simm.s32 @!p1 $0x0  }
0x14: {  	s2 =	sld [smem:$0x3F9B];
	s0 =	simm.s32 @p1 $0x1  }
0x15: {  	[smem:$0x3FB8] =	sst s0;
	s0 =	simm.s32 @!p2 $0x0  }
0x16: {  	s3 =	sld [smem:$0x3FDB];
	s0 =	simm.s32 @p2 $0x1  }
0x17: {  	s4 =	simm.s32 $0x1BF5;
	[smem:$0x3FBA] =	sst s0  }
0x18: {  	s0 =	sld [smem:$0x3F9D];
	_ =	swait.ge [sflag:s4], $0x0  }
0x19: {  	s7 =	sld [smem:$0x3F9E]  }
0x1a: {  	s8 =	sadd.s32 $0xFFFFE003, lr  }
0x1b: {  	s9 =	sadd.s32 $0xFFFFFEF7, lr;
	s5 =	simm.s32 $0xFFFFFFFF;
	p2 =	slt.u32 s8, $0xFFFFF086  }
0x1c: {  	p1 =	slt.u32 s9, $0xF7A;
	s5 =	simm.s32 @!p2 $0x0  }
0x1d: {  	s5 =	simm.s32 @p1 $0x1;
	p0 =	seq.s32 s7, s2  }
0x1e: {  	s7 =	smul.u32 @!p0 $0xF7A, s2;
	p2 =	seq.s32 @!p0 s5, $0x0  }
0x1f: {  	s9 =	smul.u32 $0xF7A, s1;
	s8 =	simm.s32 @!p0 $0x1BF5;
	p2 =	por !p2, p0  }
0x20: {  	[sflag:s8] =	ssyncset.s32 @!p0 $0xFFFFF086;
	s6 =	sadd.s32 @!p0 s3, s7;
	s7 =	simm.s32 @!p0 $0x108  }
0x21: {  	s3 =	sadd.s32 s3, s9;
	s6 =	sadd.s32 @!p0 $0x88, s6;
	s7 =	simm.s32 @p2 $0x1082  }
0x22: {  	[simem:s7], [sflag:s8] =	dma.local @!p0 [hbm:s6], $0xF7A  }
0x23: {  	s9 =	sor.u32 $0xD0000000, s2;
	s6 =	simm.s32 $0x108;
	_ =	swait.ge @!p0 [sflag:s8], $0x0  }
0x24: {  	s3 =	sadd.s32 $0x88, s3;
	s6 =	simm.s32 @!p1 $0x1082;
	[sflag:s4] =	ssyncset.s32 $0xFFFFF086  }
0x25: {  	[simem:s6], [sflag:s4] =	dma.local [hbm:s3], $0xF7A  }
0x26: {  	[smem:$0x3F9E] =	sst s1;
	(tag) =	ssettag s2;
	_ =	strace s9  }
0x27: {  	s1 =	sld [smem:$0x3FAE]  }
0x28: {  	s2 =	sld [smem:$0x3FAF]  }
0x29: {  	s4 =	sld [smem:$0x3FB1]  }
0x2a: {  	p0 =	seq.s32 s5, $0x0;
	s5 =	sld [smem:$0x3FB2]  }
0x2b: {  	s6 =	sld [smem:$0x3FB3]  }
0x2c: {  	s7 =	sld [smem:$0x3FB4]  }
0x2d: {  	s3 =	simm.s32 $0x108;
	s8 =	sld [smem:$0x3FB5]  }
0x2e: {  	s3 =	simm.s32 @!p0 $0x1082;
	s9 =	sld [smem:$0x3FB6]  }
0x2f: {  	lr =	sadd.s32 s0, s3;
	s0 =	sld [smem:$0x3FAD]  }
0x30: {  	s3 =	sld [smem:$0x3FB0]  }
0x31: {  	[smem:$0x3FB9] =	sst s10  }
0x32: {  	s10 =	sld [smem:$0x3FB7];
	_ =	sdelay $0x3  }
0x33: {  	p0 =	seq.s32 s10, $0x1;
	s10 =	sld [smem:$0x3FB9];
	_ =	sdelay $0x3  }
0x34: {  	[smem:$0x3FB9] =	sst s10  }
0x35: {  	s10 =	sld [smem:$0x3FB8];
	_ =	sdelay $0x3  }
0x36: {  	p1 =	seq.s32 s10, $0x1;
	s10 =	sld [smem:$0x3FB9];
	_ =	sdelay $0x3  }
0x37: {  	[smem:$0x3FB9] =	sst s10  }
0x38: {  	s10 =	sld [smem:$0x3FBA]  }
0x39: {  	_ = 	snop;
	(pc) =	sbr.ind lr, $3  }
0x3a: {  	_ = 	snop  }
0x3b: {  	_ = 	snop  }
0x3c: {  	p2 =	seq.s32 s10, $0x1;
	s10 =	sld [smem:$0x3FB9]  }
0x3d: {  	_ =	shalt  }
0x3e: {  	_ =	shalt  }
0x3f: {  	_ =	shalt  }
0x40: {  	_ =	shalt  }
0x41: {  	_ =	shalt  }
0x42: {  	_ =	shalt  }
0x43: {  	_ =	shalt  }
0x44: {  	_ =	shalt  }
0x45: {  	_ =	shalt  }
0x46: {  	_ =	shalt  }
0x47: {  	_ =	shalt  }
0x48: {  	_ =	shalt  }
0x49: {  	_ =	shalt  }
0x4a: {  	_ =	shalt  }
0x4b: {  	_ =	shalt  }
0x4c: {  	_ =	shalt  }
0x4d: {  	_ =	shalt  }
0x4e: {  	_ =	shalt  }
0x4f: {  	_ =	shalt  }
0x50: {  	_ =	shalt  }
0x51: {  	_ =	shalt  }
0x52: {  	_ =	shalt  }
0x53: {  	_ =	shalt  }
0x54: {  	_ =	shalt  }
0x55: {  	_ =	shalt  }
0x56: {  	_ =	shalt  }
0x57: {  	_ =	shalt  }
0x58: {  	_ =	shalt  }
0x59: {  	_ =	shalt  }
0x5a: {  	_ =	shalt  }
0x5b: {  	_ =	shalt  }
0x5c: {  	_ =	shalt  }
0x5d: {  	_ =	shalt  }
0x5e: {  	_ =	shalt  }
0x5f: {  	_ =	shalt  }
0x60: {  	_ =	shalt  }
0x61: {  	_ =	shalt  }
0x62: {  	_ =	shalt  }
0x63: {  	_ =	shalt  }
0x64: {  	_ =	shalt  }
0x65: {  	_ =	shalt  }
0x66: {  	_ =	shalt  }
0x67: {  	_ =	shalt  }
0x68: {  	_ =	shalt  }
0x69: {  	_ =	shalt  }
0x6a: {  	_ =	shalt  }
0x6b: {  	_ =	shalt  }
0x6c: {  	_ =	shalt  }
0x6d: {  	_ =	shalt  }
0x6e: {  	_ =	shalt  }
0x6f: {  	_ =	shalt  }
0x70: {  	_ =	shalt  }
0x71: {  	_ =	shalt  }
0x72: {  	_ =	shalt  }
0x73: {  	_ =	shalt  }
0x74: {  	_ =	shalt  }
0x75: {  	_ =	shalt  }
0x76: {  	_ =	shalt  }
0x77: {  	_ =	shalt  }
0x78: {  	_ =	shalt  }
0x79: {  	_ =	shalt  }
0x7a: {  	_ =	shalt  }
0x7b: {  	_ =	shalt  }
0x7c: {  	_ =	shalt  }
0x7d: {  	_ =	shalt  }
0x7e: {  	_ =	shalt  }
0x7f: {  	_ =	shalt  }
0x80: {  	_ =	shalt  }
0x81: {  	_ =	shalt  }
0x82: {  	_ =	shalt  }
0x83: {  	_ =	shalt  }
0x84: {  	_ =	shalt  }
0x85: {  	_ =	shalt  }
0x86: {  	_ =	shalt  }
0x87: {  	_ =	shalt  }
.Lfunc_end0:
.L_simem_size_0:
called_computation_lowered:
.L_overlay_start_0:
0x88: {  	s2 =	sld [smem:$0x3FD9]  }
0x89: {  	s3 =	sld [smem:$0x3FFE];
	_ =	sdelay $0x1  }
0x8a: {  	s1 =	srdreg.scid  }
0x8b: {  	s0 =	sand.u32 $0x1, s1  }
0x8c: {  	s17 =	sshll.u32 s0, $0xA;
	s2 =	sadd.s32 s3, s2  }
0x8d: {  	s2 =	sadd.s32 s2, s17  }
0x8e: {  	[smem:$0x3FC5] =	sst s2  }
0x8f: {  	_ = 	snop  }
0x90: {  	s2 =	sld [smem:$0x3FC7]  }
0x91: {  	s18 =	sld [smem:$0x3FD0];
	(tm) =	ssettm $0x1  }
0x92: {  	s4 =	sld [smem:$0x3FFB];
	_ =	sdelay $0x3  }
0x93: {  	_ =	strace s4  }
0x94: {  	s4 =	sld [smem:$0x3FFC];
	_ =	sdelay $0x3  }
0x95: {  	_ =	strace s4  }
0x96: {  	s4 =	sld [smem:$0x3FFD];
	_ =	sdelay $0x3  }
0x97: {  	_ =	strace s4  }
0x98: {  	_ =	strace $0x8FFFFFFF  }
0x99: {  	s19 =	sld [smem:$0x3FDB];
	_ =	sdelay $0x1  }
0x9a: {  	s5 =	simm.s32 $_scs_section_size  }
0x9b: {  	s6 =	simm.s32 $_size__tile_overlayer_lowered;
	s7 =	simm.s32 $_tile_overlayer_lowered  }
0x9c: {  	s22 =	simm.s32 $0x1BFF;
	s21 =	sshll.u32 s7, $0x1;
	s4 =	sadd.s32 s5, s19  }
0x9d: {  	s8 =	simm.s32 $0x0;
	s20 =	sshll.u32 s6, $0x1;
	s6 =	sadd.s32 s21, s4  }
0x9e: {  	[timem:s8], [sflag:s22] =	dma.local [hbm:s6], s20  }
0x9f: {  	_ =	swait.ge [sflag:s22], s20  }
0xa0: {  	s5 =	ssub.s32 $0x0, s20;
	[sflag:s22] =	ssyncset.done $0x0  }
0xa1: {  	[sflag:s22] =	ssyncadd.s32 s5;
	_ =	sdelay $0x1  }
0xa2: {  	s23 =	simm.s32 $0x1B8B  }
0xa3: {  	_ =	swait.ge [sflag:s23], $0x1  }
0xa4: {  	[sflag:s23] =	ssyncset.done $0x0  }
0xa5: {  	s25 =	simm.s32 $0x1B8E;
	s24 =	sld [smem:$0x3FFE];
	[sflag:s23] =	ssyncadd.s32 $0xFFFFFFFF  }
0xa6: {  	s26 =	simm.s32 $execute0_lowered;
	[smem:$0x3FD2] =	sst s25  }
0xa7: {  	s6 =	sshll.u32 s26, $0x1;
	_ =	strace $0x80000046;
	[dreg:$0x1] =	wrdreg $0xFFFFFFFF  }
0xa8: {  	s28 =	simm.s32 $_size_execute0_lowered;
	s4 =	sadd.s32 s4, s6;
	[dreg:$0x0] =	wrdreg $0x0  }
0xa9: {  	s6 =	sshll.u32 s28, $0x1;
	[dreg:$0x2] =	wrdreg s4  }
0xaa: {  	[dreg:$0x3] =	wrdreg s6  }
0xab: {  	[dreg:$0x4] =	wrdreg $0xC0  }
0xac: {  	_ =	task [dreg:s8], $0x5FFFF  }
0xad: {  	[dreg:$0x1] =	wrdreg $0xFFFFFFFF  }
0xae: {  	[dreg:$0x0] =	wrdreg $0x60  }
0xaf: {  	[dreg:$0x2] =	wrdreg s18  }
0xb0: {  	[dreg:$0x3] =	wrdreg s24  }
0xb1: {  	[dreg:$0x4] =	wrdreg s2  }
0xb2: {  	[dreg:$0x5] =	wrdreg $0x9  }
0xb3: {  	_ =	task.clear_ibuf [dreg:s8], $0x6FFFF;
	_ =	strace $0x90000046  }
0xb4: {  	s29 =	simm.s32 $0x9;
	_ =	strace $0x80000048  }
0xb5: {  	_ =	swait.ge [sflag:s29], $0x1  }
0xb6: {  	[sflag:s29] =	ssyncadd.s32 $0xFFFFFFFF  }
0xb7: {  	_ =	strace $0x90000048  }
0xb8: {  	_ =	sfence  }
0xb9: {  	s30 =	sld [smem:$0x0];
	_ =	sdelay $0x2  }
0xba: {  	s31 =	sshll.u32 s1, $0xD;
	s1 =	sshrl.u32 s1, $0x2  }
0xbb: {  	s3 =	sand.u32 $0x4000, s31;
	s1 =	sadd.s32 s1, s30  }
0xbc: {  	s0 =	sor.u32 s3, s0;
	s1 =	sshll.u32 s1, $0x11  }
0xbd: {  	s0 =	sor.u32 s1, s0  }
0xbe: {  	s0 =	sadd.s32 $0x8F2B, s0  }
0xbf: {  	[sflag:s0] =	ssyncadd.remote.s32 $0x1  }
0xc0: {  	_ =	sfence.sel $0xFFFF  }
0xc1: {  	[dreg:$0x0] =	wrdreg $0xFFFFFFFF;
	(pc) =	sbr.abs _section_cstart, $3  }
0xc2: {  	[dreg:$0x1] =	wrdreg $0xFFFFFFFF  }
0xc3: {  	_ =	task.clear_ibuf [dreg:s8], $0x2FFFF;
	_ =	strace $0x9FFFFFFF  }
0xc4: {  	(tm) =	ssettm $0x7FFFFFFF  }
0xc5: {  	_ =	shalt  }
tec
execute0_lowered:
.L_overlay_start_1:
0x0: {  	(tag) =	ssettag $0x1  }
0x1: {  	s5 =	rddreg [dreg:$0x0]  }
0x2: {  	s3 =	rddreg [dreg:$0x1]  }
0x3: {  	s4 =	rddreg [dreg:$0x2]  }
0x4: {  	s0 =	rddreg [dreg:$0x3];
	s2 =	simm.s32 $0x0  }
0x5: {  	s1 =	stileid.u32;
	s6 =	srdreg.scid;
	s12 =	simm.s32 $0x400  }
0x6: {  	s13 =	simm.s32 $0x3000;
	s14 =	simm.s32 $0x3100;
	s15 =	simm.s32 $0x0  }
0x7: {  	[smem:$0x7FF] =	sst s2;
	s7 =	sshll.u32 s1, $0x2;
	s6 =	sand.u32 $0x1, s6  }
0x8: {  	s8 =	sshll.u32 s1, $0x8;
	s9 =	sshrl.u32 s1, $0x2;
	s10 =	sshll.u32 s6, $0x7  }
0x9: {  	s8 =	sand.u32 $0x300, s8;
	s7 =	sand.u32 $0x30, s7;
	s28 =	sshll.u32 s9, $0xA  }
0xa: {  	_ =	strace $0x80000047;
	s6 =	ssub.s32 $0x2, s6;
	s9 =	sshll.u32 s9, $0xB  }
0xb: {  	s8 =	sor.u32 s10, s8;
	s11 =	sadd.s32 s7, s3;
	s29 =	sshrl.u32 s6, $0x1  }
0xc: {  	s4 =	sadd.s32 s4, s7;
	s10 =	sor.u32 s28, s8;
	s8 =	sor.u32 s9, s8  }
0xd: {  	s30 =	ssub.s32 s6, s29;
	s9 =	simm.s32 $0x200;
	s10 =	sshrl.u32 s10, $0x3  }
0xe: {  	s31 =	sshrl.u32 s8, $0x3;
	s7 =	smax.u32 s30, $0x1;
	s8 =	simm.s32 $0x80  }
0xf: {  	s10 =	sadd.s32 s10, s3;
	s3 =	sadd.s32 $0x200, s11;
	s5 =	sadd.s32 s5, s31  }
0x10: {  	v0 =	vimm.s32 $0xFFFFFF81;
	s11 =	simm.s32 $0x2000;
	s6 =	sadd.s32 $0x1200, s10;
	s10 =	simm.s32 $0x1  }
.LBB2_1:
0x11: {  	[tilespmem:s2], [sflag:$0x1] =	stream.strided.gather [hbm4b:s3+s8], $0x2000, s9, s8, $0x38;
	[tilespmem:$0x3180] =	vst v63  }
0x12: {  	_ =	swait.ge [sflag:s10], $0x2000  }
0x13: {  	[sflag:s10] =	ssyncset.done $0x0  }
0x14: {  	[sflag:s10] =	ssyncadd.s32 $0xFFFFE000  }
0x15: {  	[tilespmem:s11], [sflag:$0x1] =	stream.strided.gather [hbm4b:s4+s8], $0x800, s9, s8, $0x38;
	[tilespmem:$0x3180] =	vst v63  }
0x16: {  	_ =	swait.ge [sflag:s10], $0x800  }
0x17: {  	[sflag:s10] =	ssyncset.done $0x0  }
0x18: {  	[sflag:s10] =	ssyncadd.s32 $0xFFFFF800  }
0x19: {  	[tilespmem:s13], [sflag:$0x1] =	stream.strided.gather [hbm4b:s5+s8], $0x100, s12, s8, $0x38;
	[tilespmem:$0x3180] =	vst v63  }
0x1a: {  	_ =	swait.ge [sflag:s10], $0x100  }
0x1b: {  	[sflag:s10] =	ssyncset.done $0x0  }
0x1c: {  	[sflag:s10] =	ssyncadd.s32 $0xFFFFFF00  }
0x1d: {  	s18 =	sand.u32 $0x7E0, s2;
	v1 =	vld [tilespmem:s2+$0x0]  }
0x1e: {  	v2 =	vld [tilespmem:s18+$0x800];
	_ =	sdelay $0x1  }
0x1f: {  	v3 =	vld [tilespmem:s18+$0x1000];
	_ =	sdelay $0x1  }
0x20: {  	v4 =	vld [tilespmem:s18+$0x1800]  }
0x21: {  	v5 =	vmul.f32 v1, v1;
	v6 =	vmul.f32 v2, v2;
	_ =	sdelay $0x1  }
0x22: {  	v5 =	vadd.f32 v6, v5;
	v6 =	vmul.f32 v3, v3;
	_ =	sdelay $0x1  }
0x23: {  	s16 =	simm.s32 $0x2010;
	v5 =	vadd.f32 v6, v5;
	v6 =	vmul.f32 v4, v4  }
0x24: {  	v7 =	vld [tilespmem:s16+$0xFFFFFFF0]  }
0x25: {  	v5 =	vadd.f32 v6, v5;
	_ =	sdelay $0x1  }
0x26: {  	v5 =	vmul.f32 $5.000000000e+01, v5;
	_ =	sdelay $0x1  }
0x27: {  	v5 =	vsub.f32 v7, v5;
	_ =	sdelay $0x1  }
0x28: {  	v5 =	vadd.f32 $5.534586430e+00, v5  }
0x29: {  	s17 =	simm.s32 $0x2810;
	v1 =	vmul.f32 $1.000000000e+02, v1  }
0x2a: {  	v4 =	vmul.f32 $1.000000000e+02, v4;
	[tilespmem:s17+$0xFFFFFFF0] =	vst v5  }
0x2b: {  	[tilespmem:s2+$0x0] =	vst v1;
	v1 =	vmul.f32 $1.000000000e+02, v2  }
0x2c: {  	v2 =	vmul.f32 $1.000000000e+02, v3;
	[tilespmem:s18+$0x1800] =	vst v4  }
0x2d: {  	[tilespmem:s18+$0x800] =	vst v1  }
0x2e: {  	[tilespmem:s18+$0x1000] =	vst v2  }
0x2f: {  	v3 =	vld [tilespmem:s2+$0x10]  }
0x30: {  	v1 =	vld [tilespmem:s2+$0x810];
	_ =	sdelay $0x1  }
0x31: {  	v2 =	vld [tilespmem:s2+$0x1010];
	_ =	sdelay $0x1  }
0x32: {  	v4 =	vld [tilespmem:s2+$0x1810]  }
0x33: {  	v5 =	vmul.f32 v3, v3;
	v6 =	vmul.f32 v1, v1;
	_ =	sdelay $0x1  }
0x34: {  	v5 =	vadd.f32 v6, v5;
	v6 =	vmul.f32 v2, v2;
	_ =	sdelay $0x1  }
0x35: {  	v5 =	vadd.f32 v6, v5;
	v6 =	vmul.f32 v4, v4  }
0x36: {  	v7 =	vld [tilespmem:s16+$0x0]  }
0x37: {  	v5 =	vadd.f32 v6, v5;
	_ =	sdelay $0x1  }
0x38: {  	v5 =	vmul.f32 $5.000000000e+01, v5;
	_ =	sdelay $0x1  }
0x39: {  	s19 =	simm.s32 $0x0;
	s20 =	simm.s32 $0x2830;
	v5 =	vsub.f32 v7, v5  }
0x3a: {  	s21 =	simm.s32 $0x20;
	s22 =	simm.s32 $0x0;
	s18 =	simm.s32 $0x0  }
.LBB2_2:
0x3b: {  	s19 =	sadd.s32 $0x2, s19;
	v5 =	vadd.f32 $5.534586430e+00, v5;
	s22 =	sadd.s32 $0x20, s22;
	s16 =	sadd.s32 $0x20, s16  }
0x3c: {  	v3 =	vmul.f32 $1.000000000e+02, v3;
	p0 =	slt.u32 s19, $0x7E  }
0x3d: {  	v4 =	vmul.f32 $1.000000000e+02, v4;
	[tilespmem:s17+$0x0] =	vst v5;
	s17 =	smov.u32 s20  }
0x3e: {  	v1 =	vmul.f32 $1.000000000e+02, v1;
	v2 =	vmul.f32 $1.000000000e+02, v2;
	[tilespmem:s18+$0x10] =	vst v3  }
0x3f: {  	[tilespmem:s18+$0x1810] =	vst v4  }
0x40: {  	[tilespmem:s18+$0x1010] =	vst v2  }
0x41: {  	s23 =	sand.u32 $0x7E0, s21;
	v2 =	vld [tilespmem:s22+$0x0];
	[tilespmem:s18+$0x810] =	vst v1;
	s18 =	smov.u32 s22  }
0x42: {  	v1 =	vld [tilespmem:s23+$0x800];
	_ =	sdelay $0x1  }
0x43: {  	v3 =	vld [tilespmem:s23+$0x1000];
	_ =	sdelay $0x1  }
0x44: {  	v4 =	vld [tilespmem:s23+$0x1800]  }
0x45: {  	v5 =	vmul.f32 v2, v2;
	v6 =	vmul.f32 v1, v1;
	_ =	sdelay $0x1  }
0x46: {  	v5 =	vadd.f32 v6, v5;
	v6 =	vmul.f32 v3, v3;
	_ =	sdelay $0x1  }
0x47: {  	v5 =	vadd.f32 v6, v5;
	v6 =	vmul.f32 v4, v4  }
0x48: {  	v7 =	vld [tilespmem:s16+$0xFFFFFFF0]  }
0x49: {  	v5 =	vadd.f32 v6, v5;
	_ =	sdelay $0x1  }
0x4a: {  	v5 =	vmul.f32 $5.000000000e+01, v5;
	_ =	sdelay $0x1  }
0x4b: {  	v5 =	vsub.f32 v7, v5;
	_ =	sdelay $0x1  }
0x4c: {  	v5 =	vadd.f32 $5.534586430e+00, v5  }
0x4d: {  	v2 =	vmul.f32 $1.000000000e+02, v2  }
0x4e: {  	v4 =	vmul.f32 $1.000000000e+02, v4;
	[tilespmem:s20+$0xFFFFFFF0] =	vst v5  }
0x4f: {  	v1 =	vmul.f32 $1.000000000e+02, v1;
	[tilespmem:s22+$0x0] =	vst v2  }
0x50: {  	v2 =	vmul.f32 $1.000000000e+02, v3;
	[tilespmem:s23+$0x1800] =	vst v4  }
0x51: {  	[tilespmem:s23+$0x800] =	vst v1  }
0x52: {  	[tilespmem:s23+$0x1000] =	vst v2  }
0x53: {  	v3 =	vld [tilespmem:s22+$0x10]  }
0x54: {  	v1 =	vld [tilespmem:s22+$0x810]  }
0x55: {  	v2 =	vld [tilespmem:s22+$0x1010]  }
0x56: {  	v4 =	vld [tilespmem:s22+$0x1810];
	_ =	sdelay $0x2  }
0x57: {  	v5 =	vmul.f32 v3, v3;
	v6 =	vmul.f32 v1, v1;
	_ =	sdelay $0x1  }
0x58: {  	v5 =	vadd.f32 v6, v5;
	v6 =	vmul.f32 v2, v2;
	_ =	sdelay $0x1  }
0x59: {  	v5 =	vadd.f32 v6, v5;
	v6 =	vmul.f32 v4, v4  }
0x5a: {  	v7 =	vld [tilespmem:s16+$0x0]  }
0x5b: {  	v5 =	vadd.f32 v6, v5  }
.Ltmp0:
0x5c: {  	(pc) =	sbr.rel @p0 .LBB2_2-.Ltmp0, $3  }
0x5d: {  	v5 =	vmul.f32 $5.000000000e+01, v5;
	_ =	sdelay $0x1  }
0x5e: {  	v5 =	vsub.f32 v7, v5  }
0x5f: {  	s21 =	sadd.s32 $0x20, s21;
	s20 =	sadd.s32 $0x20, s20  }
0x60: {  	v5 =	vadd.f32 $5.534586430e+00, v5  }
0x61: {  	v3 =	vmul.f32 $1.000000000e+02, v3  }
0x62: {  	v4 =	vmul.f32 $1.000000000e+02, v4;
	[tilespmem:s17+$0x0] =	vst v5  }
0x63: {  	v2 =	vmul.f32 $1.000000000e+02, v2;
	[tilespmem:s18+$0x10] =	vst v3  }
0x64: {  	v1 =	vmul.f32 $1.000000000e+02, v1;
	[tilespmem:s18+$0x1810] =	vst v4  }
0x65: {  	[tilespmem:s18+$0x1010] =	vst v2  }
0x66: {  	[tilespmem:s18+$0x810] =	vst v1  }
0x67: {  	v1 =	vld [tilespmem:$0x3000]  }
0x68: {  	v2 =	vld [tilespmem:$0x3030]  }
0x69: {  	v3 =	vld [tilespmem:$0x3060]  }
0x6a: {  	v4 =	vld [tilespmem:$0x3090]  }
0x6b: {  	v5 =	vld [tilespmem:$0x3010]  }
0x6c: {  	v6 =	vld [tilespmem:$0x3040]  }
0x6d: {  	v7 =	vld [tilespmem:$0x3020]  }
0x6e: {  	v8 =	vld [tilespmem:$0x3050]  }
0x6f: {  	v9 =	vld [tilespmem:$0x3070]  }
0x70: {  	v10 =	vld [tilespmem:$0x3080]  }
0x71: {  	v11 =	vld [tilespmem:$0x30A0];
	v13 =	vmul.f32 v1, v1;
	v14 =	vmul.f32 v2, v2  }
0x72: {  	v12 =	vld [tilespmem:$0x30B0];
	v15 =	vmul.f32 v5, v5;
	v16 =	vmul.f32 v6, v6  }
0x73: {  	v17 =	vmul.f32 v8, v8;
	v13 =	vadd.f32 v14, v13;
	v14 =	vmul.f32 v7, v7  }
0x74: {  	v18 =	vmul.f32 v3, v3;
	v15 =	vadd.f32 v16, v15;
	v16 =	vmul.f32 v9, v9  }
0x75: {  	v14 =	vadd.f32 v17, v14;
	v17 =	vmul.f32 v10, v10  }
0x76: {  	v63 =	vmul.f32 v4, v4;
	v13 =	vadd.f32 v18, v13;
	v15 =	vadd.f32 v16, v15  }
0x77: {  	v16 =	vmul.f32 v11, v11;
	v14 =	vadd.f32 v17, v14;
	v17 =	vmul.f32 v12, v12  }
0x78: {  	v23 =	vimm.f32 $-1.000000020e+30;
	v21 =	vimm.f32 $0.0e+00;
	v13 =	vadd.f32 v63, v13  }
0x79: {  	v22 =	vimm.f32 $0.0e+00;
	v15 =	vadd.f32 v16, v15;
	v16 =	vadd.f32 v17, v14  }
0x7a: {  	v26 =	vimm.f32 $0.0e+00;
	v24 =	vimm.f32 $-1.000000020e+30;
	v13 =	vmul.f32 $-5.000000000e+01, v13  }
0x7b: {  	s16 =	simm.s32 $0x0;
	v25 =	vimm.f32 $-1.000000020e+30;
	s17 =	simm.s32 $0x2800;
	s18 =	simm.s32 $0x0;
	v14 =	vmul.f32 $-5.000000000e+01, v15;
	v15 =	vmul.f32 $-5.000000000e+01, v16  }
.LBB2_4:
0x7c: {  	v20 =	vld [tilespmem:s16+$0x0]  }
0x7d: {  	v16 =	vld [tilespmem:s17+$0x0]  }
0x7e: {  	s19 =	sand.u32 $0x7F0, s18  }
0x7f: {  	v19 =	vld [tilespmem:s19+$0x800]  }
0x80: {  	v18 =	vld [tilespmem:s19+$0x1000]  }
0x81: {  	v17 =	vld [tilespmem:s19+$0x1800];
	v27 =	vbroadcast v20, $0x0  }
0x82: {  	v33 =	vbroadcast v16, $0x0;
	v49 =	vbroadcast v20, $0x1  }
0x83: {  	v60 =	vbroadcast v16, $0x1;
	v63 =	vbroadcast v20, $0x2  }
0x84: {  	v42 =	vbroadcast v16, $0x2;
	v43 =	vbroadcast v20, $0x3  }
0x85: {  	v28 =	vbroadcast v19, $0x0;
	v31 =	vbroadcast v18, $0x0  }
0x86: {  	v32 =	vbroadcast v17, $0x0;
	v36 =	vbroadcast v19, $0x1  }
0x87: {  	v37 =	vbroadcast v18, $0x1;
	v56 =	vbroadcast v17, $0x1  }
0x88: {  	v40 =	vbroadcast v19, $0x2;
	v41 =	vbroadcast v18, $0x2  }
0x89: {  	v44 =	vbroadcast v19, $0x3;
	v29 =	vmul.f32 v27, v1  }
0x8a: {  	v34 =	vmul.f32 v27, v5;
	v27 =	vmul.f32 v27, v7  }
0x8b: {  	v52 =	vmul.f32 v49, v1;
	v57 =	vmul.f32 v49, v5  }
0x8c: {  	v30 =	vmul.f32 v28, v2;
	v45 =	vmul.f32 v31, v3  }
0x8d: {  	v46 =	vmul.f32 v32, v4;
	v35 =	vmul.f32 v28, v6  }
0x8e: {  	v48 =	vmul.f32 v31, v9;
	v28 =	vmul.f32 v28, v8  }
0x8f: {  	v47 =	vadd.f32 v33, v13;
	v50 =	vmul.f32 v32, v11;
	v51 =	vmul.f32 v31, v10  }
0x90: {  	v38 =	vadd.f32 v33, v14;
	v53 =	vmul.f32 v36, v2;
	v54 =	vmul.f32 v32, v12  }
0x91: {  	v33 =	vadd.f32 v33, v15;
	v55 =	vmul.f32 v37, v3;
	v39 =	vmul.f32 v36, v6  }
0x92: {  	v62 =	vadd.f32 v60, v13;
	v58 =	vmul.f32 v56, v4;
	v59 =	vmul.f32 v37, v9  }
0x93: {  	v61 =	vmul.f32 v56, v11;
	v29 =	vadd.f32 v30, v29;
	v34 =	vadd.f32 v35, v34  }
0x94: {  	v36 =	vmul.f32 v36, v8;
	v27 =	vadd.f32 v28, v27;
	v31 =	vadd.f32 v53, v52  }
0x95: {  	v28 =	vadd.f32 v39, v57;
	v30 =	vmul.f32 v49, v7;
	v49 =	vmul.f32 v63, v1  }
0x96: {  	v52 =	vmul.f32 v41, v3;
	v57 =	vadd.f32 v42, v13;
	v29 =	vadd.f32 v45, v29  }
0x97: {  	v53 =	vmul.f32 v63, v5;
	v34 =	vadd.f32 v48, v34;
	v27 =	vadd.f32 v51, v27  }
0x98: {  	v39 =	vmul.f32 v63, v7;
	v31 =	vadd.f32 v55, v31;
	v28 =	vadd.f32 v59, v28  }
0x99: {  	v30 =	vadd.f32 v36, v30;
	v48 =	vmul.f32 v37, v10;
	v51 =	vmul.f32 v56, v12  }
0x9a: {  	v36 =	vbroadcast v17, $0x2;
	v56 =	vmul.f32 v41, v9;
	v27 =	vadd.f32 v54, v27  }
0x9b: {  	v59 =	vmul.f32 v44, v2;
	v29 =	vadd.f32 v46, v29;
	v34 =	vadd.f32 v50, v34  }
0x9c: {  	v41 =	vmul.f32 v41, v10;
	v33 =	vadd.f32 v27, v33;
	v27 =	vadd.f32 v58, v31  }
0x9d: {  	v28 =	vadd.f32 v61, v28;
	v50 =	vadd.f32 v48, v30;
	v54 =	vmul.f32 v40, v6  }
0x9e: {  	v34 =	vadd.f32 v34, v38;
	v38 =	vadd.f32 v27, v62;
	v27 =	vmul.f32 v40, v2  }
0x9f: {  	v55 =	vmul.f32 v36, v4;
	v46 =	vbroadcast v17, $0x3;
	v29 =	vadd.f32 v29, v47  }
0xa0: {  	v48 =	vbroadcast v16, $0x3;
	v47 =	vadd.f32 v60, v14;
	v27 =	vadd.f32 v27, v49  }
0xa1: {  	v31 =	vadd.f32 v60, v15;
	v30 =	vadd.f32 v54, v53;
	v58 =	vmul.f32 v36, v11  }
0xa2: {  	v60 =	vbroadcast v18, $0x3;
	v63 =	vmul.f32 v46, v4;
	v27 =	vadd.f32 v52, v27  }
0xa3: {  	v36 =	vmul.f32 v36, v12;
	v54 =	vmul.f32 v43, v7;
	v32 =	vadd.f32 v28, v47  }
0xa4: {  	v28 =	vadd.f32 v51, v50;
	v40 =	vmul.f32 v40, v8;
	v27 =	vadd.f32 v55, v27  }
0xa5: {  	v45 =	vadd.f32 v42, v14;
	v61 =	vmul.f32 v60, v3;
	v62 =	vmul.f32 v43, v5  }
0xa6: {  	v31 =	vadd.f32 v28, v31;
	v28 =	vadd.f32 v27, v57;
	v27 =	vmul.f32 v43, v1  }
0xa7: {  	v30 =	vadd.f32 v56, v30;
	v47 =	vmul.f32 v44, v6;
	v50 =	vmul.f32 v60, v9  }
0xa8: {  	v51 =	vadd.f32 v48, v13;
	v53 =	vmax.f32 v25, v29;
	v27 =	vadd.f32 v59, v27  }
0xa9: {  	v56 =	vadd.f32 v48, v14;
	v37 =	vmul.f32 v60, v10;
	v30 =	vadd.f32 v58, v30  }
0xaa: {  	v60 =	vmax.f32 v24, v34;
	v49 =	vadd.f32 v47, v62;
	v27 =	vadd.f32 v61, v27  }
0xab: {  	v39 =	vadd.f32 v40, v39;
	v58 =	vmul.f32 v46, v12;
	v55 =	vmul.f32 v44, v8  }
0xac: {  	v40 =	vadd.f32 v50, v49;
	v52 =	vmul.f32 v46, v11;
	v27 =	vadd.f32 v63, v27  }
0xad: {  	v62 =	vmax.f32 v60, v32;
	v39 =	vadd.f32 v41, v39;
	v57 =	vadd.f32 v55, v54  }
0xae: {  	v40 =	vadd.f32 v52, v40;
	v35 =	vadd.f32 v27, v51;
	v27 =	vmax.f32 v53, v38  }
0xaf: {  	v30 =	vadd.f32 v30, v45;
	v37 =	vadd.f32 v37, v57;
	v27 =	vmax.f32 v27, v28  }
0xb0: {  	v36 =	vadd.f32 v36, v39;
	v40 =	vadd.f32 v40, v56;
	v27 =	vmax.f32 v27, v35  }
0xb1: {  	v41 =	vadd.f32 v58, v37;
	v53 =	vbroadcast v20, $0x4;
	v29 =	vsub.f32 v29, v27  }
0xb2: {  	v45 =	vmax.f32 v23, v33;
	v38 =	vsub.f32 v38, v27;
	v28 =	vsub.f32 v28, v27  }
0xb3: {  	v56 =	vmul.f32 v53, v1;
	v35 =	vsub.f32 v35, v27;
	v29 =	vmul.f32 $1.442695020e+00, v29  }
0xb4: {  	v25 =	vsub.f32 v25, v27;
	v59 =	vmul.f32 $1.442695020e+00, v38;
	v28 =	vmul.f32 $1.442695020e+00, v28  }
0xb5: {  	v61 =	vmul.f32 $1.442695020e+00, v35;
	v38 =	vadd.f32 v42, v15;
	(erf) = vpow2.f32 v29  }
0xb6: {  	v63 =	vmax.f32 v62, v30;
	v25 =	vmul.f32 $1.442695020e+00, v25;
	(erf) = vpow2.f32 v59  }
0xb7: {  	v42 =	vadd.f32 v48, v15;
	v35 =	vadd.f32 v36, v38;
	(erf) = vpow2.f32 v28  }
0xb8: {  	v38 =	vbroadcast v16, $0x6;
	v28 =	vmax.f32 v63, v40;
	(erf) = vpow2.f32 v61  }
0xb9: {  	v59 =	vbroadcast v18, $0x4;
	(erf) = vpow2.f32 v25;
	v25 =	vsub.f32 v34, v28  }
0xba: {  	v63 =	vbroadcast v17, $0x4;
	v32 =	vsub.f32 v32, v28;
	v30 =	vsub.f32 v30, v28  }
0xbb: {  	v44 =	vsub.f32 v40, v28;
	v62 =	vmul.f32 v59, v3;
	v25 =	vmul.f32 $1.442695020e+00, v25  }
0xbc: {  	v34 =	vadd.f32 v41, v42;
	v42 =	vbroadcast v20, $0x6;
	v43 =	vmul.f32 $1.442695020e+00, v32  }
0xbd: {  	v50 =	vsub.f32 v24, v28;
	(erf) = vpow2.f32 v25;
	v25 =	vmul.f32 $1.442695020e+00, v30  }
0xbe: {  	v47 =	vmul.f32 $1.442695020e+00, v44;
	v30 =	vmax.f32 v45, v31;
	(erf) = vpow2.f32 v43  }
0xbf: {  	v52 =	vmul.f32 $1.442695020e+00, v50;
	(erf) = vpow2.f32 v25;
	v25 =	vmax.f32 v30, v35  }
0xc0: {  	v50 =	vmul.f32 v59, v9;
	v44 =	vbroadcast v17, $0x6;
	v46 =	vpop (erf);
	v24 =	vmax.f32 v25, v34  }
0xc1: {  	v45 =	vbroadcast v16, $0x7;
	v43 =	vbroadcast v19, $0x6;
	v48 =	vpop (erf);
	v33 =	vsub.f32 v33, v24  }
0xc2: {  	v49 =	vpop (erf);
	(erf) = vpow2.f32 v47;
	v31 =	vsub.f32 v31, v24;
	v35 =	vsub.f32 v35, v24  }
0xc3: {  	v34 =	vsub.f32 v34, v24;
	v25 =	vpop (erf);
	(erf) = vpow2.f32 v52;
	v52 =	vmul.f32 v63, v11  }
0xc4: {  	v25 =	vadd.f32 v25, v49;
	v55 =	vmul.f32 $1.442695020e+00, v31;
	v49 =	vmul.f32 v63, v4  }
0xc5: {  	v23 =	vsub.f32 v23, v24;
	v51 =	vpop (erf);
	v35 =	vmul.f32 $1.442695020e+00, v35;
	v34 =	vmul.f32 $1.442695020e+00, v34  }
0xc6: {  	v29 =	vmul.f32 v51, v26;
	v26 =	vmul.f32 $1.442695020e+00, v33  }
0xc7: {  	v32 =	vadd.f32 v48, v46;
	v23 =	vmul.f32 $1.442695020e+00, v23;
	v51 =	vbroadcast v16, $0x4  }
0xc8: {  	(erf) = vpow2.f32 v26;
	v26 =	vbroadcast v19, $0x4;
	v54 =	vpop (erf)  }
0xc9: {  	v33 =	vmul.f32 v53, v7;
	v30 =	vadd.f32 v25, v32;
	v57 =	vpop (erf);
	(erf) = vpow2.f32 v55  }
0xca: {  	v55 =	vadd.f32 v51, v14;
	v58 =	vmul.f32 v26, v2;
	v25 =	vpop (erf);
	v48 =	vmul.f32 v26, v6  }
0xcb: {  	v31 =	vadd.f32 v57, v54;
	v26 =	vmul.f32 v26, v8;
	v54 =	vbroadcast v20, $0x5;
	v60 =	vpop (erf)  }
0xcc: {  	(erf) = vpow2.f32 v35;
	v32 =	vadd.f32 v60, v25;
	v25 =	vmul.f32 v53, v5  }
0xcd: {  	v57 =	vmul.f32 v59, v10;
	(erf) = vpow2.f32 v34;
	v61 =	vadd.f32 v58, v56  }
0xce: {  	v53 =	vadd.f32 v51, v13;
	v56 =	vbroadcast v19, $0x5;
	v25 =	vadd.f32 v48, v25  }
0xcf: {  	v26 =	vadd.f32 v26, v33;
	v58 =	vmul.f32 v54, v1;
	v36 =	vadd.f32 v62, v61  }
0xd0: {  	v60 =	vbroadcast v18, $0x5;
	v59 =	vmul.f32 v56, v2;
	v25 =	vadd.f32 v50, v25  }
0xd1: {  	(erf) = vpow2.f32 v23;
	v48 =	vbroadcast v16, $0x5;
	v36 =	vadd.f32 v49, v36  }
0xd2: {  	v62 =	vmul.f32 v60, v3;
	v61 =	vadd.f32 v59, v58;
	v25 =	vadd.f32 v52, v25  }
0xd3: {  	v50 =	vadd.f32 v48, v13;
	v59 =	vadd.f32 v48, v15;
	v52 =	vmul.f32 v56, v8  }
0xd4: {  	v39 =	vadd.f32 v25, v55;
	v25 =	vadd.f32 v57, v26;
	v26 =	vmul.f32 v63, v12  }
0xd5: {  	v36 =	vadd.f32 v36, v53;
	v53 =	vmul.f32 v60, v10;
	v63 =	vbroadcast v17, $0x5  }
0xd6: {  	v55 =	vbroadcast v18, $0x6;
	v25 =	vadd.f32 v26, v25;
	v26 =	vadd.f32 v51, v15  }
0xd7: {  	v46 =	vadd.f32 v62, v61;
	v47 =	vmul.f32 v63, v4;
	v51 =	vmul.f32 v54, v7  }
0xd8: {  	v33 =	vadd.f32 v25, v26;
	v25 =	vmul.f32 v54, v5;
	v26 =	vmul.f32 v56, v6  }
0xd9: {  	v61 =	vadd.f32 v38, v13;
	v57 =	vmul.f32 v63, v12;
	v58 =	vmul.f32 v55, v3  }
0xda: {  	v62 =	vmul.f32 v55, v9;
	v25 =	vadd.f32 v26, v25;
	v26 =	vmul.f32 v60, v9  }
0xdb: {  	v55 =	vmul.f32 v55, v10;
	v49 =	vadd.f32 v47, v46;
	v37 =	vadd.f32 v52, v51  }
0xdc: {  	v54 =	vmul.f32 v42, v1;
	v25 =	vadd.f32 v26, v25;
	v26 =	vmul.f32 v63, v11  }
0xdd: {  	v56 =	vadd.f32 v48, v14;
	v46 =	vbroadcast v20, $0x7;
	v51 =	vbroadcast v18, $0x7  }
0xde: {  	v52 =	vadd.f32 v38, v14;
	v25 =	vadd.f32 v26, v25;
	v26 =	vmul.f32 v43, v2  }
0xdf: {  	v38 =	vadd.f32 v38, v15;
	v35 =	vadd.f32 v49, v50;
	v60 =	vmul.f32 v42, v5  }
0xe0: {  	v49 =	vbroadcast v19, $0x7;
	v50 =	vmul.f32 v46, v1;
	v26 =	vadd.f32 v26, v54  }
0xe1: {  	v37 =	vadd.f32 v53, v37;
	v42 =	vmul.f32 v42, v7;
	v53 =	vmul.f32 v51, v3  }
0xe2: {  	v41 =	vadd.f32 v25, v56;
	v25 =	vadd.f32 v58, v26;
	v26 =	vmul.f32 v44, v4  }
0xe3: {  	v48 =	vmul.f32 v46, v7;
	v37 =	vadd.f32 v57, v37;
	v63 =	vmul.f32 v44, v11  }
0xe4: {  	v57 =	vmul.f32 v46, v5;
	v46 =	vadd.f32 v45, v15;
	v25 =	vadd.f32 v26, v25  }
0xe5: {  	v37 =	vadd.f32 v37, v59;
	v59 =	vadd.f32 v45, v13;
	v26 =	vmul.f32 v43, v6  }
0xe6: {  	v43 =	vmul.f32 v43, v8;
	v47 =	vadd.f32 v25, v61;
	v25 =	vmul.f32 v49, v2  }
0xe7: {  	v58 =	vmul.f32 v49, v6;
	v44 =	vmul.f32 v44, v12;
	v26 =	vadd.f32 v26, v60  }
0xe8: {  	v54 =	vadd.f32 v43, v42;
	v25 =	vadd.f32 v25, v50;
	v50 =	vbroadcast v17, $0x7  }
0xe9: {  	v42 =	vadd.f32 v58, v57;
	v60 =	vmul.f32 v51, v9;
	v26 =	vadd.f32 v62, v26  }
0xea: {  	v40 =	vadd.f32 v55, v54;
	v25 =	vadd.f32 v53, v25;
	v56 =	vmul.f32 v50, v4  }
0xeb: {  	v55 =	vmul.f32 v51, v10;
	v26 =	vadd.f32 v63, v26;
	v53 =	vmul.f32 v49, v8  }
0xec: {  	v61 =	vadd.f32 v44, v40;
	v62 =	vmul.f32 v50, v11;
	v25 =	vadd.f32 v56, v25  }
0xed: {  	v63 =	vmax.f32 v27, v36;
	v54 =	vadd.f32 v53, v48;
	v56 =	vadd.f32 v45, v14  }
0xee: {  	v58 =	vmul.f32 v50, v12;
	v40 =	vadd.f32 v25, v59;
	v25 =	vadd.f32 v60, v42  }
0xef: {  	v43 =	vmax.f32 v63, v35;
	v57 =	vadd.f32 v26, v52;
	v26 =	vadd.f32 v55, v54  }
0xf0: {  	v34 =	vadd.f32 v61, v38;
	v63 =	vpop (erf);
	v42 =	vadd.f32 v62, v25;
	v25 =	vmax.f32 v43, v47  }
0xf1: {  	v61 =	vmax.f32 v28, v39;
	v49 =	vpop (erf);
	v23 =	vadd.f32 v58, v26;
	v25 =	vmax.f32 v25, v40  }
0xf2: {  	v48 =	vbroadcast v20, $0x8;
	v51 =	vpop (erf);
	v58 =	vadd.f32 v32, v31;
	v36 =	vsub.f32 v36, v25  }
0xf3: {  	v54 =	vmax.f32 v24, v33;
	v52 =	vpop (erf);
	v59 =	vadd.f32 v42, v56;
	v26 =	vsub.f32 v35, v25  }
0xf4: {  	v22 =	vmul.f32 v63, v22;
	v53 =	vpop (erf);
	v60 =	vsub.f32 v47, v25;
	v40 =	vsub.f32 v40, v25  }
0xf5: {  	v45 =	vadd.f32 v53, v52;
	v53 =	vbroadcast v18, $0x8;
	v36 =	vmul.f32 $1.442695020e+00, v36  }
0xf6: {  	v27 =	vsub.f32 v27, v25;
	v26 =	vmul.f32 $1.442695020e+00, v26;
	v35 =	vmul.f32 $1.442695020e+00, v60  }
0xf7: {  	v40 =	vmul.f32 $1.442695020e+00, v40;
	(erf) = vpow2.f32 v36;
	v36 =	vmax.f32 v61, v41  }
0xf8: {  	v27 =	vmul.f32 $1.442695020e+00, v27;
	v36 =	vmax.f32 v36, v57;
	(erf) = vpow2.f32 v26  }
0xf9: {  	v26 =	vmax.f32 v36, v59;
	(erf) = vpow2.f32 v35;
	v35 =	vmul.f32 v48, v7  }
0xfa: {  	v55 =	vpop (erf);
	v62 =	vsub.f32 v39, v26;
	(erf) = vpow2.f32 v40;
	v47 =	vsub.f32 v41, v26  }
0xfb: {  	v39 =	vadd.f32 v23, v46;
	v46 =	vmul.f32 v55, v21;
	v55 =	vmul.f32 v53, v3  }
0xfc: {  	v50 =	vsub.f32 v57, v26;
	(erf) = vpow2.f32 v27;
	v27 =	vmul.f32 $1.442695020e+00, v62  }
0xfd: {  	v23 =	vmul.f32 $1.442695020e+00, v47;
	v62 =	vadd.f32 v51, v49;
	v49 =	vbroadcast v19, $0x8  }
0xfe: {  	v38 =	vsub.f32 v59, v26;
	v51 =	vmul.f32 v48, v1;
	(erf) = vpow2.f32 v27  }
0xff: {  	v56 =	vmax.f32 v54, v37;
	v27 =	vmul.f32 $1.442695020e+00, v50;
	v52 =	vmul.f32 v49, v2  }
0x100: {  	v28 =	vsub.f32 v28, v26;
	(erf) = vpow2.f32 v23;
	v23 =	vmul.f32 $1.442695020e+00, v38  }
0x101: {  	v22 =	vadd.f32 v58, v22;
	v38 =	vbroadcast v20, $0x9;
	(erf) = vpow2.f32 v27  }
0x102: {  	v27 =	vmul.f32 $1.442695020e+00, v28;
	v28 =	vadd.f32 v45, v62;
	v62 =	vmul.f32 v53, v9  }
0x103: {  	v57 =	vpop (erf);
	v45 =	vbroadcast v18, $0x9;
	(erf) = vpow2.f32 v23;
	v23 =	vmax.f32 v56, v34  }
0x104: {  	v59 =	vpop (erf);
	v56 =	vbroadcast v17, $0x8;
	(erf) = vpow2.f32 v27;
	v27 =	vadd.f32 v30, v29  }
0x105: {  	v23 =	vmax.f32 v23, v39;
	v60 =	vpop (erf);
	v31 =	vadd.f32 v28, v46;
	v28 =	vadd.f32 v52, v51  }
0x106: {  	v46 =	vbroadcast v18, $0xB;
	v61 =	vsub.f32 v33, v23;
	v63 =	vpop (erf);
	v34 =	vsub.f32 v34, v23  }
0x107: {  	v58 =	vmul.f32 v56, v4;
	v21 =	vpop (erf);
	v28 =	vadd.f32 v55, v28;
	v55 =	vmul.f32 v45, v3  }
0x108: {  	v47 =	vmul.f32 $1.442695020e+00, v61;
	v21 =	vmul.f32 v21, v27;
	v27 =	vsub.f32 v37, v23  }
0x109: {  	v34 =	vmul.f32 $1.442695020e+00, v34;
	v37 =	vmul.f32 v49, v8  }
0x10a: {  	(erf) = vpow2.f32 v47;
	v50 =	vmul.f32 $1.442695020e+00, v27  }
0x10b: {  	v27 =	vadd.f32 v59, v57;
	v57 =	vsub.f32 v39, v23;
	v39 =	vbroadcast v16, $0x8  }
0x10c: {  	v59 =	vmul.f32 v48, v5;
	v48 =	vbroadcast v19, $0x9  }
0x10d: {  	v24 =	vsub.f32 v24, v23;
	v47 =	vbroadcast v20, $0xA;
	(erf) = vpow2.f32 v50  }
0x10e: {  	v28 =	vadd.f32 v58, v28;
	v36 =	vmul.f32 $1.442695020e+00, v57;
	v50 =	vmul.f32 v38, v1  }
0x10f: {  	v35 =	vadd.f32 v37, v35;
	v51 =	vmul.f32 v48, v2;
	v57 =	vmul.f32 v38, v5  }
0x110: {  	v61 =	vadd.f32 v39, v13;
	v58 =	vmul.f32 v48, v6;
	v38 =	vmul.f32 v38, v7  }
0x111: {  	v29 =	vpop (erf);
	v52 =	vadd.f32 v39, v14;
	v44 =	vmul.f32 v48, v8;
	v48 =	vbroadcast v19, $0xA  }
0x112: {  	v32 =	vpop (erf);
	(erf) = vpow2.f32 v34;
	v34 =	vadd.f32 v63, v60;
	v60 =	vmul.f32 v49, v6  }
0x113: {  	v30 =	vpop (erf);
	v39 =	vadd.f32 v39, v15;
	v63 =	vmul.f32 v56, v11;
	v49 =	vmul.f32 v53, v10  }
0x114: {  	v29 =	vadd.f32 v32, v29;
	v33 =	vpop (erf);
	v53 =	vmul.f32 v56, v12;
	v56 =	vbroadcast v17, $0x9  }
0x115: {  	v54 =	vpop (erf);
	v28 =	vadd.f32 v28, v61;
	v37 =	vadd.f32 v58, v57;
	(erf) = vpow2.f32 v36  }
0x116: {  	v22 =	vmul.f32 v54, v22;
	v41 =	vadd.f32 v60, v59;
	v59 =	vmul.f32 v56, v4  }
0x117: {  	v35 =	vadd.f32 v49, v35;
	v60 =	vmul.f32 v45, v9;
	v49 =	vbroadcast v18, $0xA  }
0x118: {  	v54 =	vadd.f32 v51, v50;
	v50 =	vbroadcast v16, $0xA;
	v51 =	vbroadcast v20, $0xB  }
0x119: {  	v41 =	vadd.f32 v62, v41;
	v35 =	vadd.f32 v53, v35;
	v62 =	vmul.f32 v56, v11  }
0x11a: {  	v40 =	vadd.f32 v55, v54;
	v53 =	vmul.f32 v45, v10;
	v54 =	vmul.f32 v47, v1  }
0x11b: {  	v38 =	vadd.f32 v44, v38;
	v55 =	vmul.f32 v48, v2;
	v56 =	vmul.f32 v56, v12  }
0x11c: {  	v37 =	vadd.f32 v60, v37;
	v58 =	vmul.f32 v49, v3;
	v45 =	vbroadcast v17, $0xA  }
0x11d: {  	v60 =	vmul.f32 v48, v6;
	v41 =	vadd.f32 v63, v41;
	v35 =	vadd.f32 v35, v39  }
0x11e: {  	v48 =	vmul.f32 v48, v8;
	v61 =	vadd.f32 v59, v40;
	v37 =	vadd.f32 v62, v37  }
0x11f: {  	v40 =	vbroadcast v16, $0x9;
	v38 =	vadd.f32 v53, v38;
	v57 =	vadd.f32 v55, v54  }
0x120: {  	v59 =	vmul.f32 v47, v5;
	v62 =	vmul.f32 v49, v9;
	v53 =	vadd.f32 v50, v14  }
0x121: {  	v47 =	vmul.f32 v47, v7;
	v41 =	vadd.f32 v41, v52;
	v63 =	vadd.f32 v40, v13  }
0x122: {  	v54 =	vbroadcast v17, $0xB;
	v52 =	vadd.f32 v40, v14;
	v38 =	vadd.f32 v56, v38  }
0x123: {  	v43 =	vadd.f32 v58, v57;
	v40 =	vadd.f32 v40, v15;
	v56 =	vmul.f32 v45, v11  }
0x124: {  	v42 =	vadd.f32 v60, v59;
	v57 =	vmul.f32 v51, v1;
	v59 =	vmul.f32 v46, v3  }
0x125: {  	v47 =	vadd.f32 v48, v47;
	v60 =	vmul.f32 v49, v10;
	v49 =	vbroadcast v16, $0xB  }
0x126: {  	v39 =	vadd.f32 v61, v63;
	v37 =	vadd.f32 v37, v52;
	v61 =	vmul.f32 v45, v4  }
0x127: {  	v63 =	vadd.f32 v50, v13;
	v42 =	vadd.f32 v62, v42;
	v52 =	vbroadcast v19, $0xB  }
0x128: {  	v38 =	vadd.f32 v38, v40;
	v47 =	vadd.f32 v60, v47;
	v62 =	vmul.f32 v51, v5  }
0x129: {  	v45 =	vmul.f32 v45, v12;
	v43 =	vadd.f32 v61, v43;
	v58 =	vmul.f32 v52, v2  }
0x12a: {  	v42 =	vadd.f32 v56, v42;
	v61 =	vmul.f32 v54, v4;
	v56 =	vadd.f32 v49, v13  }
0x12b: {  	v60 =	vmul.f32 v52, v8;
	v40 =	vadd.f32 v43, v63;
	v43 =	vadd.f32 v58, v57  }
0x12c: {  	v45 =	vadd.f32 v45, v47;
	v42 =	vadd.f32 v42, v53;
	v63 =	vmul.f32 v52, v6  }
0x12d: {  	v58 =	vmul.f32 v46, v9;
	v46 =	vmul.f32 v46, v10;
	v43 =	vadd.f32 v59, v43  }
0x12e: {  	v57 =	vadd.f32 v63, v62;
	v59 =	vmul.f32 v51, v7;
	v62 =	vmax.f32 v25, v28  }
0x12f: {  	v52 =	vmax.f32 v23, v35;
	v63 =	vmax.f32 v62, v39;
	v55 =	vadd.f32 v61, v43  }
0x130: {  	v44 =	vadd.f32 v58, v57;
	v61 =	vmul.f32 v54, v11;
	v43 =	vadd.f32 v60, v59  }
0x131: {  	v57 =	vmul.f32 v54, v12;
	v58 =	vadd.f32 v50, v15;
	v59 =	vadd.f32 v49, v15  }
0x132: {  	v60 =	vmax.f32 v26, v41;
	v36 =	vadd.f32 v55, v56;
	v44 =	vadd.f32 v61, v44  }
0x133: {  	v55 =	vmul.f32 $1.442695020e+00, v24;
	v24 =	vmax.f32 v63, v40;
	v56 =	vadd.f32 v49, v14  }
0x134: {  	v43 =	vadd.f32 v46, v43;
	v50 =	vadd.f32 v45, v58;
	v24 =	vmax.f32 v24, v36  }
0x135: {  	v62 =	vmax.f32 v60, v37;
	v44 =	vadd.f32 v44, v56;
	v28 =	vsub.f32 v28, v24  }
0x136: {  	(erf) = vpow2.f32 v55;
	v43 =	vadd.f32 v57, v43;
	v39 =	vsub.f32 v39, v24  }
0x137: {  	v61 =	vsub.f32 v40, v24;
	v36 =	vsub.f32 v36, v24;
	v28 =	vmul.f32 $1.442695020e+00, v28  }
0x138: {  	v40 =	vmax.f32 v62, v42;
	v25 =	vsub.f32 v25, v24;
	v39 =	vmul.f32 $1.442695020e+00, v39  }
0x139: {  	v63 =	vmul.f32 $1.442695020e+00, v61;
	(erf) = vpow2.f32 v28;
	v28 =	vmax.f32 v40, v44  }
0x13a: {  	v36 =	vmul.f32 $1.442695020e+00, v36;
	v25 =	vmul.f32 $1.442695020e+00, v25;
	v49 =	vsub.f32 v41, v28  }
0x13b: {  	v56 =	vpop (erf);
	(erf) = vpow2.f32 v39;
	v41 =	vadd.f32 v43, v59;
	v53 =	vsub.f32 v42, v28  }
0x13c: {  	v57 =	vpop (erf);
	v55 =	vsub.f32 v26, v28;
	v43 =	vbroadcast v17, $0xD;
	(erf) = vpow2.f32 v63  }
0x13d: {  	v32 =	vadd.f32 v57, v56;
	(erf) = vpow2.f32 v36;
	v51 =	vmul.f32 $1.442695020e+00, v49  }
0x13e: {  	v54 =	vsub.f32 v44, v28;
	v36 =	vmul.f32 $1.442695020e+00, v53;
	v58 =	vmul.f32 $1.442695020e+00, v55  }
0x13f: {  	v59 =	vpop (erf);
	v55 =	vbroadcast v17, $0xC;
	(erf) = vpow2.f32 v25;
	v25 =	vsub.f32 v37, v28  }
0x140: {  	v60 =	vpop (erf);
	v37 =	vmax.f32 v52, v38;
	(erf) = vpow2.f32 v51;
	v51 =	vbroadcast v18, $0xC  }
0x141: {  	v37 =	vmax.f32 v37, v50;
	v49 =	vpop (erf);
	v57 =	vmul.f32 v55, v4;
	v25 =	vmul.f32 $1.442695020e+00, v25  }
0x142: {  	v47 =	vmul.f32 v55, v11;
	v26 =	vmax.f32 v37, v41;
	v31 =	vmul.f32 v49, v31  }
0x143: {  	v61 =	vsub.f32 v38, v26;
	v49 =	vmul.f32 v51, v10;
	(erf) = vpow2.f32 v25  }
0x144: {  	v63 =	vsub.f32 v50, v26;
	v25 =	vmul.f32 $1.442695020e+00, v54;
	v54 =	vmul.f32 v51, v3  }
0x145: {  	v56 =	vsub.f32 v41, v26;
	(erf) = vpow2.f32 v36;
	v36 =	vbroadcast v20, $0xC  }
0x146: {  	v23 =	vsub.f32 v23, v26;
	v62 =	vmul.f32 $1.442695020e+00, v61;
	v52 =	vmul.f32 $1.442695020e+00, v63  }
0x147: {  	v35 =	vsub.f32 v35, v26;
	v40 =	vmul.f32 $1.442695020e+00, v56;
	v63 =	vbroadcast v20, $0xD  }
0x148: {  	v23 =	vmul.f32 $1.442695020e+00, v23;
	(erf) = vpow2.f32 v25  }
0x149: {  	v25 =	vmul.f32 $1.442695020e+00, v35;
	(erf) = vpow2.f32 v58  }
0x14a: {  	v30 =	vadd.f32 v33, v30;
	v48 =	vmul.f32 v36, v1;
	v58 =	vbroadcast v16, $0xC  }
0x14b: {  	v33 =	vadd.f32 v60, v59;
	v59 =	vmul.f32 v36, v5;
	v36 =	vmul.f32 v36, v7  }
0x14c: {  	v27 =	vadd.f32 v34, v27;
	(erf) = vpow2.f32 v25;
	v25 =	vbroadcast v19, $0xC  }
0x14d: {  	v30 =	vadd.f32 v30, v29;
	v56 =	vmul.f32 v63, v5;
	(erf) = vpow2.f32 v62  }
0x14e: {  	v61 =	vadd.f32 v58, v13;
	v62 =	vmul.f32 v51, v9;
	v50 =	vmul.f32 v25, v2  }
0x14f: {  	v29 =	vpop (erf);
	v41 =	vadd.f32 v58, v15;
	(erf) = vpow2.f32 v52;
	v60 =	vmul.f32 v25, v6  }
0x150: {  	v25 =	vmul.f32 v25, v8;
	v52 =	vbroadcast v18, $0xD;
	v53 =	vadd.f32 v50, v48  }
0x151: {  	v35 =	vadd.f32 v60, v59;
	v48 =	vbroadcast v19, $0xD;
	v50 =	vmul.f32 v63, v1  }
0x152: {  	v25 =	vadd.f32 v25, v36;
	v59 =	vmul.f32 v52, v9;
	v60 =	vmul.f32 v43, v11  }
0x153: {  	v34 =	vadd.f32 v54, v53;
	v46 =	vadd.f32 v62, v35;
	v51 =	vmul.f32 v48, v2  }
0x154: {  	v53 =	vadd.f32 v58, v14;
	v54 =	vmul.f32 v55, v12;
	v55 =	vmul.f32 v52, v3  }
0x155: {  	v25 =	vadd.f32 v49, v25;
	v58 =	vmul.f32 v43, v4;
	v39 =	vmul.f32 v48, v8  }
0x156: {  	v52 =	vmul.f32 v52, v10;
	v49 =	vbroadcast v16, $0xE;
	v34 =	vadd.f32 v57, v34  }
0x157: {  	v35 =	vadd.f32 v51, v50;
	v25 =	vadd.f32 v54, v25;
	v57 =	vmul.f32 v48, v6  }
0x158: {  	v54 =	vbroadcast v18, $0xE;
	v18 =	vbroadcast v18, $0xF;
	v37 =	vadd.f32 v34, v61  }
0x159: {  	v34 =	vadd.f32 v47, v46;
	v61 =	vmul.f32 v63, v7;
	v46 =	vbroadcast v20, $0xE  }
0x15a: {  	v36 =	vadd.f32 v57, v56;
	v47 =	vbroadcast v19, $0xE;
	v56 =	vmul.f32 v43, v12  }
0x15b: {  	v57 =	vmul.f32 v54, v3;
	v43 =	vbroadcast v17, $0xE  }
0x15c: {  	v35 =	vadd.f32 v55, v35;
	v20 =	vbroadcast v20, $0xF;
	v19 =	vbroadcast v19, $0xF  }
0x15d: {  	v17 =	vbroadcast v17, $0xF;
	v45 =	vadd.f32 v34, v53;
	v34 =	vadd.f32 v25, v41  }
0x15e: {  	v25 =	vadd.f32 v58, v35;
	v35 =	vbroadcast v16, $0xD;
	v36 =	vadd.f32 v59, v36  }
0x15f: {  	v39 =	vadd.f32 v39, v61;
	v53 =	vmul.f32 v46, v1;
	v58 =	vmul.f32 v46, v5  }
0x160: {  	v59 =	vmul.f32 v47, v6;
	v61 =	vmul.f32 v54, v9;
	v62 =	vadd.f32 v35, v13  }
0x161: {  	v51 =	vadd.f32 v49, v14;
	v50 =	vmul.f32 v19, v2;
	v46 =	vmul.f32 v46, v7  }
0x162: {  	v54 =	vmul.f32 v54, v10;
	v42 =	vadd.f32 v25, v62;
	v25 =	vmul.f32 v47, v2  }
0x163: {  	v16 =	vbroadcast v16, $0xF;
	v36 =	vadd.f32 v60, v36;
	v63 =	vadd.f32 v35, v14  }
0x164: {  	v55 =	vadd.f32 v52, v39;
	v60 =	vmul.f32 v43, v4;
	v25 =	vadd.f32 v25, v53  }
0x165: {  	v35 =	vadd.f32 v35, v15;
	v39 =	vadd.f32 v59, v58;
	v52 =	vmul.f32 v18, v3  }
0x166: {  	v58 =	vadd.f32 v16, v13;
	v59 =	vmul.f32 v18, v9;
	v25 =	vadd.f32 v57, v25  }
0x167: {  	v18 =	vmul.f32 v18, v10;
	v36 =	vadd.f32 v36, v63;
	v38 =	vadd.f32 v56, v55  }
0x168: {  	v62 =	vadd.f32 v49, v13;
	v63 =	vmul.f32 v43, v11;
	v25 =	vadd.f32 v60, v25  }
0x169: {  	v39 =	vadd.f32 v61, v39;
	v47 =	vmul.f32 v47, v8;
	v55 =	vmul.f32 v17, v4  }
0x16a: {  	v35 =	vadd.f32 v38, v35;
	v38 =	vadd.f32 v25, v62;
	v25 =	vmul.f32 v20, v1  }
0x16b: {  	v48 =	vmax.f32 v28, v45;
	v56 =	vmul.f32 v20, v5;
	v61 =	vmul.f32 v17, v11  }
0x16c: {  	v39 =	vadd.f32 v63, v39;
	v57 =	vmul.f32 v19, v6;
	v25 =	vadd.f32 v50, v25  }
0x16d: {  	v53 =	vadd.f32 v47, v46;
	v19 =	vmul.f32 v19, v8;
	v20 =	vmul.f32 v20, v7  }
0x16e: {  	v43 =	vmul.f32 v43, v12;
	v39 =	vadd.f32 v39, v51;
	v25 =	vadd.f32 v52, v25  }
0x16f: {  	v17 =	vmul.f32 v17, v12;
	v44 =	vadd.f32 v54, v53;
	v19 =	vadd.f32 v19, v20  }
0x170: {  	v47 =	vpop (erf);
	(erf) = vpow2.f32 v40;
	v46 =	vadd.f32 v57, v56;
	v25 =	vadd.f32 v55, v25  }
0x171: {  	v62 =	vadd.f32 v49, v15;
	v20 =	vmax.f32 v24, v37;
	v18 =	vadd.f32 v18, v19  }
0x172: {  	v20 =	vmax.f32 v20, v42;
	v60 =	vadd.f32 v25, v58;
	v25 =	vadd.f32 v59, v46  }
0x173: {  	v20 =	vmax.f32 v20, v38;
	v19 =	vpop (erf);
	(erf) = vpow2.f32 v23;
	v23 =	vadd.f32 v43, v44  }
0x174: {  	v17 =	vadd.f32 v17, v18;
	v41 =	vadd.f32 v61, v25;
	v25 =	vmax.f32 v20, v60  }
0x175: {  	v50 =	vmax.f32 v48, v36;
	v43 =	vadd.f32 v23, v62;
	v37 =	vsub.f32 v37, v25  }
0x176: {  	v23 =	vmax.f32 v26, v34;
	v20 =	vadd.f32 v16, v14;
	v16 =	vadd.f32 v16, v15  }
0x177: {  	v23 =	vmax.f32 v23, v35;
	v46 =	vsub.f32 v42, v25;
	v49 =	vsub.f32 v38, v25  }
0x178: {  	v38 =	vmax.f32 v50, v39;
	v20 =	vadd.f32 v41, v20;
	v63 =	vmul.f32 $1.442695020e+00, v37  }
0x179: {  	v40 =	vsub.f32 v60, v25;
	v51 =	vsub.f32 v24, v25;
	v41 =	vmul.f32 $1.442695020e+00, v46;
	v37 =	vpop (erf)  }
0x17a: {  	v18 =	vmul.f32 $1.442695020e+00, v49;
	v24 =	vmax.f32 v38, v20;
	(erf) = vpow2.f32 v63;
	v42 =	vpop (erf)  }
0x17b: {  	v40 =	vmul.f32 $1.442695020e+00, v40;
	v52 =	vsub.f32 v45, v24;
	v38 =	vpop (erf);
	(erf) = vpow2.f32 v41  }
0x17c: {  	v23 =	vmax.f32 v23, v43;
	v53 =	vmul.f32 $1.442695020e+00, v51;
	v45 =	vpop (erf);
	(erf) = vpow2.f32 v18  }
0x17d: {  	v16 =	vadd.f32 v17, v16;
	v17 =	vmul.f32 $1.442695020e+00, v52;
	v44 =	vpop (erf);
	(erf) = vpow2.f32 v40  }
0x17e: {  	v55 =	vsub.f32 v36, v24;
	v20 =	vsub.f32 v20, v24;
	v54 =	vpop (erf);
	(erf) = vpow2.f32 v53  }
0x17f: {  	v23 =	vmax.f32 v23, v16;
	v36 =	vpop (erf);
	(erf) = vpow2.f32 v17;
	v17 =	vsub.f32 v39, v24  }
0x180: {  	v58 =	vmul.f32 $1.442695020e+00, v20;
	v20 =	vsub.f32 v34, v23;
	v18 =	vmul.f32 $1.442695020e+00, v55;
	v39 =	vpop (erf)  }
0x181: {  	v28 =	vsub.f32 v28, v24;
	v56 =	vpop (erf);
	v17 =	vmul.f32 $1.442695020e+00, v17  }
0x182: {  	v60 =	vsub.f32 v35, v23;
	v62 =	vmul.f32 $1.442695020e+00, v20;
	(erf) = vpow2.f32 v18;
	v57 =	vpop (erf)  }
0x183: {  	v20 =	vsub.f32 v43, v23;
	v59 =	vpop (erf);
	(erf) = vpow2.f32 v17;
	v17 =	vmul.f32 $1.442695020e+00, v28  }
0x184: {  	v61 =	vpop (erf);
	(erf) = vpow2.f32 v58  }
0x185: {  	v16 =	vsub.f32 v16, v23;
	v63 =	vpop (erf);
	(erf) = vpow2.f32 v17;
	v17 =	vmul.f32 $1.442695020e+00, v60  }
0x186: {  	v50 =	vmul.f32 $1.442695020e+00, v20;
	v49 =	vpop (erf);
	(erf) = vpow2.f32 v62  }
0x187: {  	v16 =	vmul.f32 $1.442695020e+00, v16;
	v20 =	vpop (erf);
	(erf) = vpow2.f32 v17;
	v17 =	vsub.f32 v26, v23  }
0x188: {  	v21 =	vadd.f32 v27, v21;
	v26 =	vpop (erf);
	(erf) = vpow2.f32 v50  }
0x189: {  	v48 =	vadd.f32 v33, v32;
	v27 =	vpop (erf);
	(erf) = vpow2.f32 v16;
	v16 =	vmul.f32 $1.442695020e+00, v17  }
0x18a: {  	v19 =	vadd.f32 v37, v19;
	v52 =	vadd.f32 v47, v29  }
0x18b: {  	v22 =	vadd.f32 v30, v22;
	v17 =	vpop (erf)  }
0x18c: {  	v51 =	vadd.f32 v48, v31;
	v19 =	vadd.f32 v19, v52;
	(erf) = vpow2.f32 v16;
	v55 =	vpop (erf)  }
0x18d: {  	v21 =	vmul.f32 v42, v21;
	v53 =	vadd.f32 v45, v38;
	v54 =	vadd.f32 v54, v44;
	v16 =	vpop (erf)  }
0x18e: {  	v56 =	vadd.f32 v56, v39;
	v34 =	vadd.f32 v59, v57;
	v57 =	vpop (erf)  }
0x18f: {  	v22 =	vmul.f32 v36, v22;
	v29 =	vadd.f32 v54, v53;
	v58 =	vpop (erf)  }
0x190: {  	v19 =	vadd.f32 v19, v21;
	v18 =	vmul.f32 v61, v51;
	v59 =	vadd.f32 v34, v56;
	v60 =	vpop (erf)  }
0x191: {  	v22 =	vadd.f32 v29, v22;
	v62 =	vadd.f32 v49, v63;
	v21 =	vpop (erf)  }
0x192: {  	v18 =	vadd.f32 v59, v18;
	v20 =	vadd.f32 v26, v20;
	v61 =	vpop (erf)  }
0x193: {  	p0 =	sne.s32 s18, $0x7F0;
	v17 =	vadd.f32 v55, v17;
	v16 =	vadd.f32 v57, v16;
	v26 =	vpop (erf)  }
.Ltmp1:
0x194: {  	v21 =	vadd.f32 v21, v60;
	v26 =	vadd.f32 v26, v61;
	(pc) =	sbr.rel @p0 .LBB2_4-.Ltmp1, $4  }
0x195: {  	v19 =	vmul.f32 v27, v19;
	v22 =	vmul.f32 v58, v22;
	v16 =	vadd.f32 v16, v17;
	v27 =	vpop (erf)  }
0x196: {  	v20 =	vadd.f32 v20, v62;
	v17 =	vmul.f32 v27, v18;
	v63 =	vadd.f32 v26, v21  }
0x197: {  	v22 =	vadd.f32 v16, v22  }
0x198: {  	s16 =	sadd.s32 $0x10, s16;
	s17 =	sadd.s32 $0x10, s17;
	s18 =	sadd.s32 $0x10, s18;
	v26 =	vadd.f32 v20, v19;
	v21 =	vadd.f32 v63, v17  }
0x199: {  	_ = 	snop  }
0x19a: {  	v1 =	vand.u32 $0x7FFFFF, v26  }
0x19b: {  	v1 =	vor.u32 $0x3F800000, v1  }
0x19c: {  	v2 =	vmul.f32 $5.000000000e-01, v1  }
0x19d: {  	vm1 =	vgt.f32 v1, $1.414213540e+00  }
0x19e: {  	v1 =	vsel vm1, v2, v1  }
0x19f: {  	v2 =	vadd.f32 $1.000000000e+00, v1  }
0x1a0: {  	v3 =	vand.u32 $0x7FFFFF, v22  }
0x1a1: {  	(erf) = vrcp.f32 v2;
	v2 =	vor.u32 $0x3F800000, v3;
	v3 =	vand.u32 $0x7FFFFF, v21  }
0x1a2: {  	v4 =	vmul.f32 $5.000000000e-01, v2;
	v3 =	vor.u32 $0x3F800000, v3  }
0x1a3: {  	vm2 =	vgt.f32 v2, $1.414213540e+00;
	v5 =	vmul.f32 $5.000000000e-01, v3  }
0x1a4: {  	vm0 =	vgt.f32 v3, $1.414213540e+00;
	v2 =	vsel vm2, v4, v2  }
0x1a5: {  	v4 =	vadd.f32 $1.000000000e+00, v2;
	v3 =	vsel vm0, v5, v3  }
0x1a6: {  	v5 =	vadd.f32 $1.000000000e+00, v3  }
0x1a7: {  	(erf) = vrcp.f32 v4  }
0x1a8: {  	(erf) = vrcp.f32 v5;
	_ =	sdelay $0x2  }
0x1a9: {  	v1 =	vadd.f32 $-1.000000000e+00, v1  }
0x1aa: {  	v54 =	vpop (erf)  }
0x1ab: {  	v1 =	vmul.f32 v54, v1;
	_ =	sdelay $0x1  }
0x1ac: {  	v2 =	vadd.f32 $-1.000000000e+00, v2;
	v4 =	vmul.f32 v1, v1  }
0x1ad: {  	v3 =	vadd.f32 $-1.000000000e+00, v3;
	v6 =	vpop (erf)  }
0x1ae: {  	v55 =	vmul.f32 $1.111111120e-01, v4;
	v2 =	vmul.f32 v6, v2;
	v56 =	vpop (erf)  }
0x1af: {  	v3 =	vmul.f32 v56, v3  }
0x1b0: {  	v5 =	vadd.f32 $1.428571490e-01, v55;
	v57 =	vmul.f32 v2, v2  }
0x1b1: {  	v7 =	vmul.f32 v3, v3  }
0x1b2: {  	v5 =	vmul.f32 v5, v4;
	v8 =	vmul.f32 $1.111111120e-01, v57  }
0x1b3: {  	v9 =	vmul.f32 $1.111111120e-01, v7  }
0x1b4: {  	v5 =	vadd.f32 $2.000000030e-01, v5;
	v8 =	vadd.f32 $1.428571490e-01, v8  }
0x1b5: {  	v9 =	vadd.f32 $1.428571490e-01, v9  }
0x1b6: {  	v5 =	vmul.f32 v5, v4;
	v8 =	vmul.f32 v8, v57  }
0x1b7: {  	v9 =	vmul.f32 v9, v7  }
0x1b8: {  	v60 =	vshrl.u32 v22, $0x17;
	v5 =	vadd.f32 $3.333333430e-01, v5;
	v58 =	vadd.f32 $2.000000030e-01, v8  }
0x1b9: {  	v10 =	vshrl.u32 v26, $0x17;
	v61 =	vshrl.u32 v21, $0x17;
	v9 =	vadd.f32 $2.000000030e-01, v9  }
0x1ba: {  	v62 =	vsel vm0, $0xFFFFFF82, v0;
	v4 =	vmul.f32 v5, v4;
	v5 =	vmul.f32 v58, v57  }
0x1bb: {  	v59 =	vsel vm1, $0xFFFFFF82, v0;
	v6 =	vadd.s32 v61, v62;
	v9 =	vmul.f32 v9, v7  }
0x1bc: {  	v1 =	vadd.f32 v1, v1;
	v6 =	vcvt.s32.f32 v6;
	v5 =	vadd.f32 $3.333333430e-01, v5  }
0x1bd: {  	v8 =	vadd.s32 v10, v59;
	v4 =	vadd.f32 $1.000000000e+00, v4;
	v9 =	vadd.f32 $3.333333430e-01, v9  }
0x1be: {  	v11 =	vsel vm2, $0xFFFFFF82, v0;
	v8 =	vcvt.s32.f32 v8;
	v5 =	vmul.f32 v5, v57  }
0x1bf: {  	v1 =	vmul.f32 v4, v1;
	v4 =	vadd.s32 v60, v11;
	v7 =	vmul.f32 v9, v7  }
0x1c0: {  	v2 =	vadd.f32 v2, v2;
	v4 =	vcvt.s32.f32 v4;
	v5 =	vadd.f32 $1.000000000e+00, v5  }
0x1c1: {  	v3 =	vadd.f32 v3, v3;
	v8 =	vmul.f32 $6.931471820e-01, v8;
	v7 =	vadd.f32 $1.000000000e+00, v7  }
0x1c2: {  	v4 =	vmul.f32 $6.931471820e-01, v4;
	v2 =	vmul.f32 v5, v2  }
0x1c3: {  	v63 =	vmul.f32 $6.931471820e-01, v6;
	v1 =	vadd.f32 v1, v8;
	v3 =	vmul.f32 v7, v3  }
0x1c4: {  	v2 =	vadd.f32 v2, v4  }
0x1c5: {  	v1 =	vadd.f32 v1, v25;
	v3 =	vadd.f32 v3, v63  }
0x1c6: {  	v2 =	vadd.f32 v2, v24  }
0x1c7: {  	s15 =	sadd.s32 $0x1, s15;
	[tilespmem:$0x3100] =	vst v1;
	v1 =	vadd.f32 v3, v23  }
0x1c8: {  	p0 =	sne.s32 s15, s7;
	[tilespmem:$0x3110] =	vst v2  }
.Ltmp2:
0x1c9: {  	[tilespmem:$0x3120] =	vst v1;
	(pc) =	sbr.rel @p0 .LBB2_1-.Ltmp2, $4  }
0x1ca: {  	[hbm4b:s6+s2] =	stream.linear.scatter [tilespmem:s14], [sflag:$0x1], $0x80, $0x38;
	[tilespmem:$0x3180] =	vst v63  }
0x1cb: {  	_ =	swait.ge [sflag:s10], $0x80  }
0x1cc: {  	[sflag:s10] =	ssyncset.done $0x0  }
0x1cd: {  	[sflag:s10] =	ssyncadd.s32 $0xFFFFFF80  }
0x1ce: {  	_ =	sfence.sel $0x180000  }
0x1cf: {  	[bflag:$0x0] =	sbarrier.arrive $0xFFFF  }
0x1d0: {  	p0 =	sne.s32 s1, $0x0;
	_ =	strace $0x90000047  }
0x1d1: {  	s0 =	sadd.s32 @!p0 $0x100000, s0;
	[bflag:$0x2] =	sbarrier.arrive $0xFFFF  }
0x1d2: {  	[sflag:s0] =	ssyncadd.tile.s32 @!p0 $0x1;
	_ =	shalt  }
.Lfunc_end2:
_tile_overlayer_lowered:
.L_overlay_start_2:
0x1d3: {  	(tag) =	ssettag $0x2  }
0x1d4: {  	s0 =	rddreg [dreg:$0x0];
	s2 =	stileid.u32  }
0x1d5: {  	s1 =	rddreg [dreg:$0x1];
	p0 =	sne.s32 s2, $0x0  }
0x1d6: {  	s3 =	rddreg [dreg:$0x2];
	[bflag:$0x3] =	sbarrier.arrive $0xFFFF;
	s2 =	simm.s32 @!p0 $0x1C01  }
0x1d7: {  	[timem:s3], [sflag:s2] =	dma.local @!p0 [hbm:s0], s1  }
0x1d8: {  	s0 =	simm.s32 @!p0 $0x1  }
0x1d9: {  	_ =	swait.ge @!p0 [sflag:s0], s1  }
0x1da: {  	s1 =	ssub.s32 @!p0 $0x0, s1;
	[sflag:s0] =	ssyncset.done @!p0 $0x0  }
0x1db: {  	[sflag:s0] =	ssyncadd.s32 @!p0 s1  }
0x1dc: {  	[bflag:$0x3] =	sbarrier.arrive $0xFFFF  }
0x1dd: {  	_ =	shalt  }

</sc_bundles>
